<compile_context>
chip_gen: v7x
topology: tpu7x:2x2x1
jax: 0.10.2.dev20260603
libtpu: 0.0.44.dev20260713+nightly
codegen_flags: <defaults>
</compile_context>

<pallas_src>
import functools

import jax
import jax.numpy as jnp
from jax import lax
from jax.experimental import pallas as pl
from jax.experimental.pallas import tpu as pltpu
from jax.experimental.pallas import tpu_sc as plsc

N = 10000
E = 320000
D = 128
H = 64
O = 128
BN_EPS = 1e-5

NC = 2
NS = 16
NW = NC * NS
EPT = E // NW
CH = 50
ITERS = EPT // CH
NB = 4
NI = 8
N_PAD = 10240
RPT = N_PAD // NS
ZR = 16

_mesh = plsc.VectorSubcoreMesh(
    core_axis_name="c", subcore_axis_name="s", num_cores=NC, num_subcores=NS)


@functools.partial(
    pl.kernel,
    out_type=jax.ShapeDtypeStruct((NC * N_PAD, D), jnp.float32),
    mesh=_mesh,
    scratch_types=(
        [pltpu.VMEM((2, CH), jnp.int32)] * NI
        + [pltpu.VMEM((CH, D), jnp.float32)] * NB
        + [
            pltpu.VMEM((ZR, D), jnp.float32),
            pltpu.VMEM_SHARED((N_PAD, D), jnp.float32),
        ]
        + [pltpu.SemaphoreType.DMA] * (NI + 2 * NB)
    ),
)
def _segment_sum_sc(edges_hbm, x_hbm, out_hbm, *refs):
    eidx = refs[:NI]
    rows = refs[NI:NI + NB]
    zbuf = refs[NI + NB]
    acc = refs[NI + NB + 1]
    sems = refs[NI + NB + 2:]
    isem = sems[:NI]
    gsem = sems[NI:NI + NB]
    ssem = sems[NI + NB:]

    cid = lax.axis_index("c")
    sid = lax.axis_index("s")
    wid = sid * NC + cid
    base = wid * ITERS

    def _fire_idx(i, s):
        pltpu.async_copy(edges_hbm.at[base + i], eidx[s], isem[s])

    def _wait_idx(i, s):
        pltpu.make_async_copy(edges_hbm.at[base + i], eidx[s], isem[s]).wait()

    def _fire_gather(b, s):
        pltpu.async_copy(x_hbm.at[eidx[s].at[0]], rows[b], gsem[b])

    def _drain_gather(b, s):
        pltpu.make_async_copy(x_hbm.at[eidx[s].at[0]], rows[b], gsem[b]).wait()

    def _fire_scatter(b, s):
        pltpu.async_copy(rows[b], acc.at[eidx[s].at[1]], ssem[b], add=True)

    def _drain_scatter(b, s):
        pltpu.make_async_copy(rows[b], acc.at[eidx[s].at[1]], ssem[b]).wait()

    for j in range(NI):
        _fire_idx(j, j)

    def _zrow(j, _):
        def _zlane(k, _):
            zbuf[j, pl.ds(k * 16, 16)] = jnp.zeros((16,), jnp.float32)
            return 0
        return lax.fori_loop(0, D // 16, _zlane, 0)

    lax.fori_loop(0, ZR, _zrow, 0)

    def _zcopy(t, _):
        pltpu.sync_copy(zbuf, acc.at[pl.ds(sid * RPT + t * ZR, ZR)])
        return 0

    lax.fori_loop(0, RPT // ZR, _zcopy, 0)
    plsc.subcore_barrier()

    def _visit(j, u):
        b = u % NB
        s = u % NI
        _wait_idx(j, s)

        @pl.when(j >= NB)
        def _():
            _drain_scatter(b, (u + NI - NB) % NI)

            @pl.when(j + NB < ITERS)
            def _():
                _fire_idx(j + NB, (u + NB) % NI)

        _fire_gather(b, s)

        @pl.when(j >= 3)
        def _():
            _drain_gather((u + NB - 3) % NB, (u + NI - 3) % NI)
            _fire_scatter((u + NB - 3) % NB, (u + NI - 3) % NI)

    def _group(g, _):
        for u in range(NI):
            _visit(NI * g + u, u)
        return 0

    lax.fori_loop(0, ITERS // NI, _group, 0)

    for j in (ITERS - 3, ITERS - 2, ITERS - 1):
        _drain_gather(j % NB, j % NI)
        _fire_scatter(j % NB, j % NI)
    for j in range(ITERS - NB, ITERS):
        _drain_scatter(j % NB, j % NI)
    plsc.subcore_barrier()

    def _wcopy(t, _):
        r = sid * RPT + t * ZR
        pltpu.sync_copy(acc.at[pl.ds(r, ZR)], out_hbm.at[pl.ds(cid * N_PAD + r, ZR)])
        return 0

    lax.fori_loop(0, RPT // ZR, _wcopy, 0)


def _mlp_tc(parts_ref, x_ref, w1_ref, b1_ref, g1_ref, be1_ref, w2_ref, b2_ref,
            scale_ref, out_ref):
    ax = parts_ref[:N, :] + parts_ref[N_PAD:N_PAD + N, :]
    h = ax + scale_ref[0, 0] * x_ref[...]
    h1 = jnp.dot(h, w1_ref[...], preferred_element_type=jnp.float32) + b1_ref[...]
    mean = jnp.mean(h1, axis=0, keepdims=True)
    var = jnp.mean((h1 - mean) * (h1 - mean), axis=0, keepdims=True)
    h1 = (h1 - mean) * lax.rsqrt(var + BN_EPS) * g1_ref[...] + be1_ref[...]
    h1 = jnp.maximum(h1, 0.0)
    out_ref[...] = jnp.dot(h1, w2_ref[...], preferred_element_type=jnp.float32) + b2_ref[...]


def kernel(x, edge_index, W1, b1, gamma1, beta1, W2, b2, eps):
    edges = (edge_index.astype(jnp.int32)
             .reshape(2, NW, ITERS, CH)
             .transpose(1, 2, 0, 3)
             .reshape(NW * ITERS, 2, CH))
    parts = _segment_sum_sc(edges, x)
    scale = (1.0 + eps).reshape(1, 1).astype(jnp.float32)
    out = pl.pallas_call(
        _mlp_tc,
        out_shape=jax.ShapeDtypeStruct((N, O), jnp.float32),
    )(parts, x, W1, b1.reshape(1, H), gamma1.reshape(1, H),
      beta1.reshape(1, H), W2, b2.reshape(1, O), scale)
    return out

# --- scband reference (transcript-rebuilt; emitter-appended) ---
"""Pipeline reference for scband-ginconvolution-35966056137207 (READ-ONLY COPY).

The authoritative reference and input builder live on the scoring server;
editing this copy changes nothing except your own understanding.
"""

import jax, jax.numpy as jnp
import numpy as np

N = 10000   # n_nodes
E = 320000  # n_edges
D = 128     # input_dim
H = 64      # hidden_dim
O = 128     # output_dim
BN_EPS = 1e-5


def setup_inputs(seed: int = 0) -> dict:
    key = jax.random.key(seed)
    ks = jax.random.split(key, 8)
    x = jax.random.normal(ks[0], (N, D), dtype=jnp.float32)
    edge_index = jax.random.randint(ks[1], (2, E), 0, N)
    # MLP_for_GIN params (2 layers: Linear -> BN -> ReLU -> Linear)
    W1 = jax.random.normal(ks[2], (D, H), dtype=jnp.float32) * (1.0 / np.sqrt(D))
    b1 = jnp.zeros((H,), dtype=jnp.float32)
    gamma1 = jnp.ones((H,), dtype=jnp.float32)
    beta1 = jnp.zeros((H,), dtype=jnp.float32)
    W2 = jax.random.normal(ks[3], (H, O), dtype=jnp.float32) * (1.0 / np.sqrt(H))
    b2 = jnp.zeros((O,), dtype=jnp.float32)
    eps = jnp.zeros((), dtype=jnp.float32)  # trainable eps, init 0
    return {"x": x, "edge_index": edge_index, "W1": W1, "b1": b1,
            "gamma1": gamma1, "beta1": beta1, "W2": W2, "b2": b2, "eps": eps}


def reference(x, edge_index, W1, b1, gamma1, beta1, W2, b2, eps):
    # dropout_rate=0.0 -> identity
    src = edge_index[0]
    dst = edge_index[1]
    # AX = support[0] @ x  (single unweighted sparse adjacency): gather + scatter-add
    AX = jax.ops.segment_sum(x[src], dst, num_segments=N)
    # GIN: nn(AX + (1 + eps) * x)
    h = AX + (1.0 + eps) * x
    # MLP_for_GIN, layer 1: Linear -> BatchNorm (training stats) -> ReLU
    h1 = h @ W1 + b1
    mean = jnp.mean(h1, axis=0)
    var = jnp.var(h1, axis=0)
    h1 = (h1 - mean) / jnp.sqrt(var + BN_EPS) * gamma1 + beta1
    h1 = jax.nn.relu(h1)
    # layer 2: Linear
    out = h1 @ W2 + b2
    # act_func is None -> no extra activation
    return out

if __name__ == "__main__":
    import jax
    _d = setup_inputs()
    print(jax.jit(kernel)(*tuple(_d.values())))

</pallas_src>

<mosaic_0001>
#map = affine_map<(d0, d1) -> (0, 0, 0)>
#map1 = affine_map<(d0, d1) -> (0, 0)>
module attributes {stable_mosaic.version = 14 : i64} {
  func.func @_segment_sum_sc(%arg0: i32, %arg1: i32, %arg2: memref<6400x2x50xi32, #tpu.memory_space<hbm>>, %arg3: memref<10000x128xf32, #tpu.memory_space<hbm>>, %arg4: memref<20480x128xf32, #tpu.memory_space<hbm>>, %arg5: memref<2x50xi32, #tpu.memory_space<vmem>>, %arg6: memref<2x50xi32, #tpu.memory_space<vmem>>, %arg7: memref<2x50xi32, #tpu.memory_space<vmem>>, %arg8: memref<2x50xi32, #tpu.memory_space<vmem>>, %arg9: memref<2x50xi32, #tpu.memory_space<vmem>>, %arg10: memref<2x50xi32, #tpu.memory_space<vmem>>, %arg11: memref<2x50xi32, #tpu.memory_space<vmem>>, %arg12: memref<2x50xi32, #tpu.memory_space<vmem>>, %arg13: memref<50x128xf32, #tpu.memory_space<vmem>>, %arg14: memref<50x128xf32, #tpu.memory_space<vmem>>, %arg15: memref<50x128xf32, #tpu.memory_space<vmem>>, %arg16: memref<50x128xf32, #tpu.memory_space<vmem>>, %arg17: memref<16x128xf32, #tpu.memory_space<vmem>>, %arg18: memref<10240x128xf32, #tpu.memory_space<vmem_shared>>, %arg19: memref<!tpu.dma_semaphore, #tpu.memory_space<semaphore_mem>>, %arg20: memref<!tpu.dma_semaphore, #tpu.memory_space<semaphore_mem>>, %arg21: memref<!tpu.dma_semaphore, #tpu.memory_space<semaphore_mem>>, %arg22: memref<!tpu.dma_semaphore, #tpu.memory_space<semaphore_mem>>, %arg23: memref<!tpu.dma_semaphore, #tpu.memory_space<semaphore_mem>>, %arg24: memref<!tpu.dma_semaphore, #tpu.memory_space<semaphore_mem>>, %arg25: memref<!tpu.dma_semaphore, #tpu.memory_space<semaphore_mem>>, %arg26: memref<!tpu.dma_semaphore, #tpu.memory_space<semaphore_mem>>, %arg27: memref<!tpu.dma_semaphore, #tpu.memory_space<semaphore_mem>>, %arg28: memref<!tpu.dma_semaphore, #tpu.memory_space<semaphore_mem>>, %arg29: memref<!tpu.dma_semaphore, #tpu.memory_space<semaphore_mem>>, %arg30: memref<!tpu.dma_semaphore, #tpu.memory_space<semaphore_mem>>, %arg31: memref<!tpu.dma_semaphore, #tpu.memory_space<semaphore_mem>>, %arg32: memref<!tpu.dma_semaphore, #tpu.memory_space<semaphore_mem>>, %arg33: memref<!tpu.dma_semaphore, #tpu.memory_space<semaphore_mem>>, %arg34: memref<!tpu.dma_semaphore, #tpu.memory_space<semaphore_mem>>) attributes {dimension_semantics = [#tpu.dimension_semantics<core_parallel>, #tpu.dimension_semantics<subcore_parallel>], iteration_bounds = array<i64: 2, 16>, scalar_prefetch = 0 : i64, scratch_operands = 30 : i64, tpu.core_type = #tpu.core_type<sc_vector_subcore>, window_params = [{transform_indices = #map}, {transform_indices = #map1}, {transform_indices = #map1}]} {
    %mul3A = arith.constant 2 : i32
    %mul3A_0 = arith.muli %arg1, %mul3A : i32
    %add3A = arith.addi %mul3A_0, %arg0 : i32
    %mul3A_1 = arith.constant 200 : i32
    %mul3A_2 = arith.muli %add3A, %mul3A_1 : i32
    %add3A_3 = arith.constant 0 : i32
    %add3A_4 = arith.addi %mul3A_2, %add3A_3 : i32
    %dma_start3A = arith.constant 0 : i32
    %dma_start3A_5 = arith.constant 0 : i32
    %dma_start3A_6 = tpu.memref_slice %arg2[%add3A_4, %dma_start3A, %dma_start3A_5] : memref<6400x2x50xi32, #tpu.memory_space<hbm>> -> memref<1x2x50xi32, #tpu.memory_space<hbm>>
    %dma_start3A_7 = tpu.memref_squeeze %dma_start3A_6 : memref<1x2x50xi32, #tpu.memory_space<hbm>> -> memref<2x50xi32, #tpu.memory_space<hbm>>
    %dma_start3A_8 = arith.constant 0 : i32
    %dma_start3A_9 = arith.constant 0 : i32
    %dma_start3A_10 = tpu.memref_slice %arg2[%add3A_4, %dma_start3A_8, %dma_start3A_9] : memref<6400x2x50xi32, #tpu.memory_space<hbm>> -> memref<1x2x50xi32, #tpu.memory_space<hbm>>
    %dma_start3A_11 = tpu.memref_squeeze %dma_start3A_10 : memref<1x2x50xi32, #tpu.memory_space<hbm>> -> memref<2x50xi32, #tpu.memory_space<hbm>>
    tpu.enqueue_dma source(%dma_start3A_11 : memref<2x50xi32, #tpu.memory_space<hbm>>) target(%arg5 : memref<2x50xi32, #tpu.memory_space<vmem>>) target_semaphore(%arg19 : memref<!tpu.dma_semaphore, #tpu.memory_space<semaphore_mem>>)
    %add3A_12 = arith.constant 1 : i32
    %add3A_13 = arith.addi %mul3A_2, %add3A_12 : i32
    %dma_start3A_14 = arith.constant 0 : i32
    %dma_start3A_15 = arith.constant 0 : i32
    %dma_start3A_16 = tpu.memref_slice %arg2[%add3A_13, %dma_start3A_14, %dma_start3A_15] : memref<6400x2x50xi32, #tpu.memory_space<hbm>> -> memref<1x2x50xi32, #tpu.memory_space<hbm>>
    %dma_start3A_17 = tpu.memref_squeeze %dma_start3A_16 : memref<1x2x50xi32, #tpu.memory_space<hbm>> -> memref<2x50xi32, #tpu.memory_space<hbm>>
    %dma_start3A_18 = arith.constant 0 : i32
    %dma_start3A_19 = arith.constant 0 : i32
    %dma_start3A_20 = tpu.memref_slice %arg2[%add3A_13, %dma_start3A_18, %dma_start3A_19] : memref<6400x2x50xi32, #tpu.memory_space<hbm>> -> memref<1x2x50xi32, #tpu.memory_space<hbm>>
    %dma_start3A_21 = tpu.memref_squeeze %dma_start3A_20 : memref<1x2x50xi32, #tpu.memory_space<hbm>> -> memref<2x50xi32, #tpu.memory_space<hbm>>
    tpu.enqueue_dma source(%dma_start3A_21 : memref<2x50xi32, #tpu.memory_space<hbm>>) target(%arg6 : memref<2x50xi32, #tpu.memory_space<vmem>>) target_semaphore(%arg20 : memref<!tpu.dma_semaphore, #tpu.memory_space<semaphore_mem>>)
    %add3A_22 = arith.constant 2 : i32
    %add3A_23 = arith.addi %mul3A_2, %add3A_22 : i32
    %dma_start3A_24 = arith.constant 0 : i32
    %dma_start3A_25 = arith.constant 0 : i32
    %dma_start3A_26 = tpu.memref_slice %arg2[%add3A_23, %dma_start3A_24, %dma_start3A_25] : memref<6400x2x50xi32, #tpu.memory_space<hbm>> -> memref<1x2x50xi32, #tpu.memory_space<hbm>>
    %dma_start3A_27 = tpu.memref_squeeze %dma_start3A_26 : memref<1x2x50xi32, #tpu.memory_space<hbm>> -> memref<2x50xi32, #tpu.memory_space<hbm>>
    %dma_start3A_28 = arith.constant 0 : i32
    %dma_start3A_29 = arith.constant 0 : i32
    %dma_start3A_30 = tpu.memref_slice %arg2[%add3A_23, %dma_start3A_28, %dma_start3A_29] : memref<6400x2x50xi32, #tpu.memory_space<hbm>> -> memref<1x2x50xi32, #tpu.memory_space<hbm>>
    %dma_start3A_31 = tpu.memref_squeeze %dma_start3A_30 : memref<1x2x50xi32, #tpu.memory_space<hbm>> -> memref<2x50xi32, #tpu.memory_space<hbm>>
    tpu.enqueue_dma source(%dma_start3A_31 : memref<2x50xi32, #tpu.memory_space<hbm>>) target(%arg7 : memref<2x50xi32, #tpu.memory_space<vmem>>) target_semaphore(%arg21 : memref<!tpu.dma_semaphore, #tpu.memory_space<semaphore_mem>>)
    %add3A_32 = arith.constant 3 : i32
    %add3A_33 = arith.addi %mul3A_2, %add3A_32 : i32
    %dma_start3A_34 = arith.constant 0 : i32
    %dma_start3A_35 = arith.constant 0 : i32
    %dma_start3A_36 = tpu.memref_slice %arg2[%add3A_33, %dma_start3A_34, %dma_start3A_35] : memref<6400x2x50xi32, #tpu.memory_space<hbm>> -> memref<1x2x50xi32, #tpu.memory_space<hbm>>
    %dma_start3A_37 = tpu.memref_squeeze %dma_start3A_36 : memref<1x2x50xi32, #tpu.memory_space<hbm>> -> memref<2x50xi32, #tpu.memory_space<hbm>>
    %dma_start3A_38 = arith.constant 0 : i32
    %dma_start3A_39 = arith.constant 0 : i32
    %dma_start3A_40 = tpu.memref_slice %arg2[%add3A_33, %dma_start3A_38, %dma_start3A_39] : memref<6400x2x50xi32, #tpu.memory_space<hbm>> -> memref<1x2x50xi32, #tpu.memory_space<hbm>>
    %dma_start3A_41 = tpu.memref_squeeze %dma_start3A_40 : memref<1x2x50xi32, #tpu.memory_space<hbm>> -> memref<2x50xi32, #tpu.memory_space<hbm>>
    tpu.enqueue_dma source(%dma_start3A_41 : memref<2x50xi32, #tpu.memory_space<hbm>>) target(%arg8 : memref<2x50xi32, #tpu.memory_space<vmem>>) target_semaphore(%arg22 : memref<!tpu.dma_semaphore, #tpu.memory_space<semaphore_mem>>)
    %add3A_42 = arith.constant 4 : i32
    %add3A_43 = arith.addi %mul3A_2, %add3A_42 : i32
    %dma_start3A_44 = arith.constant 0 : i32
    %dma_start3A_45 = arith.constant 0 : i32
    %dma_start3A_46 = tpu.memref_slice %arg2[%add3A_43, %dma_start3A_44, %dma_start3A_45] : memref<6400x2x50xi32, #tpu.memory_space<hbm>> -> memref<1x2x50xi32, #tpu.memory_space<hbm>>
    %dma_start3A_47 = tpu.memref_squeeze %dma_start3A_46 : memref<1x2x50xi32, #tpu.memory_space<hbm>> -> memref<2x50xi32, #tpu.memory_space<hbm>>
    %dma_start3A_48 = arith.constant 0 : i32
    %dma_start3A_49 = arith.constant 0 : i32
    %dma_start3A_50 = tpu.memref_slice %arg2[%add3A_43, %dma_start3A_48, %dma_start3A_49] : memref<6400x2x50xi32, #tpu.memory_space<hbm>> -> memref<1x2x50xi32, #tpu.memory_space<hbm>>
    %dma_start3A_51 = tpu.memref_squeeze %dma_start3A_50 : memref<1x2x50xi32, #tpu.memory_space<hbm>> -> memref<2x50xi32, #tpu.memory_space<hbm>>
    tpu.enqueue_dma source(%dma_start3A_51 : memref<2x50xi32, #tpu.memory_space<hbm>>) target(%arg9 : memref<2x50xi32, #tpu.memory_space<vmem>>) target_semaphore(%arg23 : memref<!tpu.dma_semaphore, #tpu.memory_space<semaphore_mem>>)
    %add3A_52 = arith.constant 5 : i32
    %add3A_53 = arith.addi %mul3A_2, %add3A_52 : i32
    %dma_start3A_54 = arith.constant 0 : i32
    %dma_start3A_55 = arith.constant 0 : i32
    %dma_start3A_56 = tpu.memref_slice %arg2[%add3A_53, %dma_start3A_54, %dma_start3A_55] : memref<6400x2x50xi32, #tpu.memory_space<hbm>> -> memref<1x2x50xi32, #tpu.memory_space<hbm>>
    %dma_start3A_57 = tpu.memref_squeeze %dma_start3A_56 : memref<1x2x50xi32, #tpu.memory_space<hbm>> -> memref<2x50xi32, #tpu.memory_space<hbm>>
    %dma_start3A_58 = arith.constant 0 : i32
    %dma_start3A_59 = arith.constant 0 : i32
    %dma_start3A_60 = tpu.memref_slice %arg2[%add3A_53, %dma_start3A_58, %dma_start3A_59] : memref<6400x2x50xi32, #tpu.memory_space<hbm>> -> memref<1x2x50xi32, #tpu.memory_space<hbm>>
    %dma_start3A_61 = tpu.memref_squeeze %dma_start3A_60 : memref<1x2x50xi32, #tpu.memory_space<hbm>> -> memref<2x50xi32, #tpu.memory_space<hbm>>
    tpu.enqueue_dma source(%dma_start3A_61 : memref<2x50xi32, #tpu.memory_space<hbm>>) target(%arg10 : memref<2x50xi32, #tpu.memory_space<vmem>>) target_semaphore(%arg24 : memref<!tpu.dma_semaphore, #tpu.memory_space<semaphore_mem>>)
    %add3A_62 = arith.constant 6 : i32
    %add3A_63 = arith.addi %mul3A_2, %add3A_62 : i32
    %dma_start3A_64 = arith.constant 0 : i32
    %dma_start3A_65 = arith.constant 0 : i32
    %dma_start3A_66 = tpu.memref_slice %arg2[%add3A_63, %dma_start3A_64, %dma_start3A_65] : memref<6400x2x50xi32, #tpu.memory_space<hbm>> -> memref<1x2x50xi32, #tpu.memory_space<hbm>>
    %dma_start3A_67 = tpu.memref_squeeze %dma_start3A_66 : memref<1x2x50xi32, #tpu.memory_space<hbm>> -> memref<2x50xi32, #tpu.memory_space<hbm>>
    %dma_start3A_68 = arith.constant 0 : i32
    %dma_start3A_69 = arith.constant 0 : i32
    %dma_start3A_70 = tpu.memref_slice %arg2[%add3A_63, %dma_start3A_68, %dma_start3A_69] : memref<6400x2x50xi32, #tpu.memory_space<hbm>> -> memref<1x2x50xi32, #tpu.memory_space<hbm>>
    %dma_start3A_71 = tpu.memref_squeeze %dma_start3A_70 : memref<1x2x50xi32, #tpu.memory_space<hbm>> -> memref<2x50xi32, #tpu.memory_space<hbm>>
    tpu.enqueue_dma source(%dma_start3A_71 : memref<2x50xi32, #tpu.memory_space<hbm>>) target(%arg11 : memref<2x50xi32, #tpu.memory_space<vmem>>) target_semaphore(%arg25 : memref<!tpu.dma_semaphore, #tpu.memory_space<semaphore_mem>>)
    %add3A_72 = arith.constant 7 : i32
    %add3A_73 = arith.addi %mul3A_2, %add3A_72 : i32
    %dma_start3A_74 = arith.constant 0 : i32
    %dma_start3A_75 = arith.constant 0 : i32
    %dma_start3A_76 = tpu.memref_slice %arg2[%add3A_73, %dma_start3A_74, %dma_start3A_75] : memref<6400x2x50xi32, #tpu.memory_space<hbm>> -> memref<1x2x50xi32, #tpu.memory_space<hbm>>
    %dma_start3A_77 = tpu.memref_squeeze %dma_start3A_76 : memref<1x2x50xi32, #tpu.memory_space<hbm>> -> memref<2x50xi32, #tpu.memory_space<hbm>>
    %dma_start3A_78 = arith.constant 0 : i32
    %dma_start3A_79 = arith.constant 0 : i32
    %dma_start3A_80 = tpu.memref_slice %arg2[%add3A_73, %dma_start3A_78, %dma_start3A_79] : memref<6400x2x50xi32, #tpu.memory_space<hbm>> -> memref<1x2x50xi32, #tpu.memory_space<hbm>>
    %dma_start3A_81 = tpu.memref_squeeze %dma_start3A_80 : memref<1x2x50xi32, #tpu.memory_space<hbm>> -> memref<2x50xi32, #tpu.memory_space<hbm>>
    tpu.enqueue_dma source(%dma_start3A_81 : memref<2x50xi32, #tpu.memory_space<hbm>>) target(%arg12 : memref<2x50xi32, #tpu.memory_space<vmem>>) target_semaphore(%arg26 : memref<!tpu.dma_semaphore, #tpu.memory_space<semaphore_mem>>)
    %scan3A = arith.constant 0 : i32
    %scan3A_82 = arith.constant 0 : i32
    %scan3A_83 = arith.constant 16 : i32
    %scan3A_84 = arith.addi %scan3A_82, %scan3A_83 : i32
    %scan3A_85 = arith.constant 1 : i32
    %scan3A_86 = scf.for %scan3A_179 = %scan3A_82 to %scan3A_84 step %scan3A_85 iter_args(%scan3A_180 = %scan3A) -> (i32)  : i32 {
      %scan3A_181 = arith.constant 0 : i32
      %scan3A_182 = arith.constant 0 : i32
      %scan3A_183 = arith.constant 8 : i32
      %scan3A_184 = arith.addi %scan3A_182, %scan3A_183 : i32
      %scan3A_185 = arith.constant 1 : i32
      %scan3A_186 = scf.for %scan3A_188 = %scan3A_182 to %scan3A_184 step %scan3A_185 iter_args(%scan3A_189 = %scan3A_181) -> (i32)  : i32 {
        %broadcast_in_dim3A = arith.constant 0.000000e+00 : f32
        %broadcast_in_dim3A_190 = vector.broadcast %broadcast_in_dim3A : f32 to vector<16xf32>
        %mul3A_191 = arith.constant 16 : i32
        %mul3A_192 = arith.muli %scan3A_188, %mul3A_191 : i32
        %swap3A = arith.index_cast %scan3A_179 : i32 to index
        %swap3A_193 = arith.index_cast %mul3A_192 : i32 to index
        %swap3A_194 = tpu.vector_load %arg17[%swap3A, %swap3A_193] {strides = array<i32>} : memref<16x128xf32, #tpu.memory_space<vmem>>, vector<1x16xf32>,
        %swap3A_195 = vector.shape_cast %swap3A_194 : vector<1x16xf32> to vector<16xf32>
        %swap3A_196 = vector.shape_cast %broadcast_in_dim3A_190 : vector<16xf32> to vector<1x16xf32>
        tpu.vector_store %arg17[%swap3A, %swap3A_193], %swap3A_196 {strides = array<i32>} : memref<16x128xf32, #tpu.memory_space<vmem>>, vector<1x16xf32>,
        %scan3A_197 = arith.constant 0 : i32
        scf.yield %scan3A_197 : i32
      }
      %scan3A_187 = arith.constant 8 : i32
      scf.yield %scan3A_186 : i32
    }
    %scan3A_87 = arith.constant 16 : i32
    %scan3A_88 = arith.constant 0 : i32
    %scan3A_89 = arith.constant 0 : i32
    %scan3A_90 = arith.constant 40 : i32
    %scan3A_91 = arith.addi %scan3A_89, %scan3A_90 : i32
    %scan3A_92 = arith.constant 1 : i32
    %scan3A_93 = scf.for %scan3A_179 = %scan3A_89 to %scan3A_91 step %scan3A_92 iter_args(%scan3A_180 = %scan3A_88) -> (i32)  : i32 {
      %mul3A_181 = arith.constant 640 : i32
      %mul3A_182 = arith.muli %arg1, %mul3A_181 : i32
      %mul3A_183 = arith.constant 16 : i32
      %mul3A_184 = arith.muli %scan3A_179, %mul3A_183 : i32
      %add3A_185 = arith.addi %mul3A_182, %mul3A_184 : i32
      "tpu.region"() ({
        %run_scoped3A = tpu.sem_alloc : memref<!tpu.dma_semaphore, #tpu.memory_space<semaphore_mem>>
        %dma_start3A_187 = arith.constant 0 : i32
        %dma_start3A_188 = tpu.memref_slice %arg18[%add3A_185, %dma_start3A_187] : memref<10240x128xf32, #tpu.memory_space<vmem_shared>> -> memref<16x128xf32, #tpu.memory_space<vmem_shared>>
        %dma_start3A_189 = arith.constant 0 : i32
        %dma_start3A_190 = tpu.memref_slice %arg18[%add3A_185, %dma_start3A_189] : memref<10240x128xf32, #tpu.memory_space<vmem_shared>> -> memref<16x128xf32, #tpu.memory_space<vmem_shared>>
        tpu.enqueue_dma source(%arg17 : memref<16x128xf32, #tpu.memory_space<vmem>>) target(%dma_start3A_190 : memref<16x128xf32, #tpu.memory_space<vmem_shared>>) target_semaphore(%run_scoped3A : memref<!tpu.dma_semaphore, #tpu.memory_space<semaphore_mem>>)
        %dma_wait3A_191 = arith.constant 0 : i32
        %dma_wait3A_192 = tpu.memref_slice %arg18[%add3A_185, %dma_wait3A_191] : memref<10240x128xf32, #tpu.memory_space<vmem_shared>> -> memref<16x128xf32, #tpu.memory_space<vmem_shared>>
        %dma_wait3A_193 = arith.constant 0 : i32
        %dma_wait3A_194 = tpu.memref_slice %arg18[%add3A_185, %dma_wait3A_193] : memref<10240x128xf32, #tpu.memory_space<vmem_shared>> -> memref<16x128xf32, #tpu.memory_space<vmem_shared>>
        tpu.wait_dma2 semaphore(%run_scoped3A : memref<!tpu.dma_semaphore, #tpu.memory_space<semaphore_mem>>) src(%arg17 : memref<16x128xf32, #tpu.memory_space<vmem>>) dst(%dma_wait3A_194 : memref<16x128xf32, #tpu.memory_space<vmem_shared>>)
        tpu.yield
      }) : () -> ()
      %scan3A_186 = arith.constant 0 : i32
      scf.yield %scan3A_186 : i32
    }
    %scan3A_94 = arith.constant 40 : i32
    %barrier3A = arith.constant 0 : index
    tpu.barrier barrier_id(%barrier3A)
    %scan3A_95 = arith.constant 0 : i32
    %scan3A_96 = arith.constant 0 : i32
    %scan3A_97 = arith.constant 25 : i32
    %scan3A_98 = arith.addi %scan3A_96, %scan3A_97 : i32
    %scan3A_99 = arith.constant 1 : i32
    %scan3A_100 = scf.for %scan3A_179 = %scan3A_96 to %scan3A_98 step %scan3A_99 iter_args(%scan3A_180 = %scan3A_95) -> (i32)  : i32 {
      %mul3A_181 = arith.constant 8 : i32
      %mul3A_182 = arith.muli %mul3A_181, %scan3A_179 : i32
      %add3A_183 = arith.constant 0 : i32
      %add3A_184 = arith.addi %mul3A_182, %add3A_183 : i32
      %add3A_185 = arith.addi %mul3A_2, %add3A_184 : i32
      %dma_wait3A_186 = arith.constant 0 : i32
      %dma_wait3A_187 = arith.constant 0 : i32
      %dma_wait3A_188 = tpu.memref_slice %arg2[%add3A_185, %dma_wait3A_186, %dma_wait3A_187] : memref<6400x2x50xi32, #tpu.memory_space<hbm>> -> memref<1x2x50xi32, #tpu.memory_space<hbm>>
      %dma_wait3A_189 = tpu.memref_squeeze %dma_wait3A_188 : memref<1x2x50xi32, #tpu.memory_space<hbm>> -> memref<2x50xi32, #tpu.memory_space<hbm>>
      %dma_wait3A_190 = arith.constant 0 : i32
      %dma_wait3A_191 = arith.constant 0 : i32
      %dma_wait3A_192 = tpu.memref_slice %arg2[%add3A_185, %dma_wait3A_190, %dma_wait3A_191] : memref<6400x2x50xi32, #tpu.memory_space<hbm>> -> memref<1x2x50xi32, #tpu.memory_space<hbm>>
      %dma_wait3A_193 = tpu.memref_squeeze %dma_wait3A_192 : memref<1x2x50xi32, #tpu.memory_space<hbm>> -> memref<2x50xi32, #tpu.memory_space<hbm>>
      tpu.wait_dma2 semaphore(%arg19 : memref<!tpu.dma_semaphore, #tpu.memory_space<semaphore_mem>>) src(%dma_wait3A_193 : memref<2x50xi32, #tpu.memory_space<hbm>>) dst(%arg5 : memref<2x50xi32, #tpu.memory_space<vmem>>)
      %ge3A = arith.constant 4 : i32
      %ge3A_194 = arith.cmpi sge, %add3A_184, %ge3A : i32
      %convert_element_type3A = arith.extui %ge3A_194 : i1 to i32
      %cond3A = arith.constant 0 : i32
      %cond3A_195 = arith.cmpi ne, %convert_element_type3A, %cond3A : i32
      scf.if %cond3A_195 {
        %dma_wait3A_419 = arith.constant 1 : i32
        %dma_wait3A_420 = arith.constant 0 : i32
        %dma_wait3A_421 = tpu.memref_slice %arg9[%dma_wait3A_419, %dma_wait3A_420] : memref<2x50xi32, #tpu.memory_space<vmem>> -> memref<1x50xi32, #tpu.memory_space<vmem>>
        %dma_wait3A_422 = tpu.memref_squeeze %dma_wait3A_421 : memref<1x50xi32, #tpu.memory_space<vmem>> -> memref<50xi32, #tpu.memory_space<vmem>>
        %dma_wait3A_423 = arith.constant 0 : i32
        %dma_wait3A_424 = arith.constant 0 : i32
        %dma_wait3A_425 = tpu.memref_slice %arg18[%dma_wait3A_423, %dma_wait3A_424] : memref<10240x128xf32, #tpu.memory_space<vmem_shared>> -> memref<10240x128xf32, #tpu.memory_space<vmem_shared>>
        tpu.wait_indirect_dma semaphore(%arg31 : memref<!tpu.dma_semaphore, #tpu.memory_space<semaphore_mem>>) src(%arg13 : memref<50x128xf32, #tpu.memory_space<vmem>>) dst(%dma_wait3A_425 : memref<10240x128xf32, #tpu.memory_space<vmem_shared>>)
        %add3A_426 = arith.constant 4 : i32
        %add3A_427 = arith.addi %add3A_184, %add3A_426 : i32
        %lt3A = arith.constant 200 : i32
        %lt3A_428 = arith.cmpi slt, %add3A_427, %lt3A : i32
        %convert_element_type3A_429 = arith.extui %lt3A_428 : i1 to i32
        %cond3A_430 = arith.constant 0 : i32
        %cond3A_431 = arith.cmpi ne, %convert_element_type3A_429, %cond3A_430 : i32
        scf.if %cond3A_431 {
          %add3A_432 = arith.constant 4 : i32
          %add3A_433 = arith.addi %add3A_184, %add3A_432 : i32
          %add3A_434 = arith.addi %mul3A_2, %add3A_433 : i32
          %dma_start3A_435 = arith.constant 0 : i32
          %dma_start3A_436 = arith.constant 0 : i32
          %dma_start3A_437 = tpu.memref_slice %arg2[%add3A_434, %dma_start3A_435, %dma_start3A_436] : memref<6400x2x50xi32, #tpu.memory_space<hbm>> -> memref<1x2x50xi32, #tpu.memory_space<hbm>>
          %dma_start3A_438 = tpu.memref_squeeze %dma_start3A_437 : memref<1x2x50xi32, #tpu.memory_space<hbm>> -> memref<2x50xi32, #tpu.memory_space<hbm>>
          %dma_start3A_439 = arith.constant 0 : i32
          %dma_start3A_440 = arith.constant 0 : i32
          %dma_start3A_441 = tpu.memref_slice %arg2[%add3A_434, %dma_start3A_439, %dma_start3A_440] : memref<6400x2x50xi32, #tpu.memory_space<hbm>> -> memref<1x2x50xi32, #tpu.memory_space<hbm>>
          %dma_start3A_442 = tpu.memref_squeeze %dma_start3A_441 : memref<1x2x50xi32, #tpu.memory_space<hbm>> -> memref<2x50xi32, #tpu.memory_space<hbm>>
          tpu.enqueue_dma source(%dma_start3A_442 : memref<2x50xi32, #tpu.memory_space<hbm>>) target(%arg9 : memref<2x50xi32, #tpu.memory_space<vmem>>) target_semaphore(%arg23 : memref<!tpu.dma_semaphore, #tpu.memory_space<semaphore_mem>>)
        } else {
        }
      } else {
      }
      %dma_start3A_196 = arith.constant 0 : i32
      %dma_start3A_197 = arith.constant 0 : i32
      %dma_start3A_198 = tpu.memref_slice %arg5[%dma_start3A_196, %dma_start3A_197] : memref<2x50xi32, #tpu.memory_space<vmem>> -> memref<1x50xi32, #tpu.memory_space<vmem>>
      %dma_start3A_199 = tpu.memref_squeeze %dma_start3A_198 : memref<1x50xi32, #tpu.memory_space<vmem>> -> memref<50xi32, #tpu.memory_space<vmem>>
      %dma_start3A_200 = arith.constant 0 : i32
      %dma_start3A_201 = arith.constant 0 : i32
      %dma_start3A_202 = tpu.memref_slice %arg3[%dma_start3A_200, %dma_start3A_201] : memref<10000x128xf32, #tpu.memory_space<hbm>> -> memref<10000x128xf32, #tpu.memory_space<hbm>>
      tpu.enqueue_indirect_dma source(%dma_start3A_202 : memref<10000x128xf32, #tpu.memory_space<hbm>>) target(%arg13 : memref<50x128xf32, #tpu.memory_space<vmem>>) offsets(%dma_start3A_199 : memref<50xi32, #tpu.memory_space<vmem>>) semaphore(%arg27 : memref<!tpu.dma_semaphore, #tpu.memory_space<semaphore_mem>>)
      %ge3A_203 = arith.constant 3 : i32
      %ge3A_204 = arith.cmpi sge, %add3A_184, %ge3A_203 : i32
      %convert_element_type3A_205 = arith.extui %ge3A_204 : i1 to i32
      %cond3A_206 = arith.constant 0 : i32
      %cond3A_207 = arith.cmpi ne, %convert_element_type3A_205, %cond3A_206 : i32
      scf.if %cond3A_207 {
        %dma_wait3A_419 = arith.constant 0 : i32
        %dma_wait3A_420 = arith.constant 0 : i32
        %dma_wait3A_421 = tpu.memref_slice %arg10[%dma_wait3A_419, %dma_wait3A_420] : memref<2x50xi32, #tpu.memory_space<vmem>> -> memref<1x50xi32, #tpu.memory_space<vmem>>
        %dma_wait3A_422 = tpu.memref_squeeze %dma_wait3A_421 : memref<1x50xi32, #tpu.memory_space<vmem>> -> memref<50xi32, #tpu.memory_space<vmem>>
        %dma_wait3A_423 = arith.constant 0 : i32
        %dma_wait3A_424 = arith.constant 0 : i32
        %dma_wait3A_425 = tpu.memref_slice %arg3[%dma_wait3A_423, %dma_wait3A_424] : memref<10000x128xf32, #tpu.memory_space<hbm>> -> memref<10000x128xf32, #tpu.memory_space<hbm>>
        tpu.wait_indirect_dma semaphore(%arg28 : memref<!tpu.dma_semaphore, #tpu.memory_space<semaphore_mem>>) src(%dma_wait3A_425 : memref<10000x128xf32, #tpu.memory_space<hbm>>) dst(%arg14 : memref<50x128xf32, #tpu.memory_space<vmem>>)
        %dma_start3A_426 = arith.constant 1 : i32
        %dma_start3A_427 = arith.constant 0 : i32
        %dma_start3A_428 = tpu.memref_slice %arg10[%dma_start3A_426, %dma_start3A_427] : memref<2x50xi32, #tpu.memory_space<vmem>> -> memref<1x50xi32, #tpu.memory_space<vmem>>
        %dma_start3A_429 = tpu.memref_squeeze %dma_start3A_428 : memref<1x50xi32, #tpu.memory_space<vmem>> -> memref<50xi32, #tpu.memory_space<vmem>>
        %dma_start3A_430 = arith.constant 0 : i32
        %dma_start3A_431 = arith.constant 0 : i32
        %dma_start3A_432 = tpu.memref_slice %arg18[%dma_start3A_430, %dma_start3A_431] : memref<10240x128xf32, #tpu.memory_space<vmem_shared>> -> memref<10240x128xf32, #tpu.memory_space<vmem_shared>>
        tpu.enqueue_indirect_dma source(%arg14 : memref<50x128xf32, #tpu.memory_space<vmem>>) target(%dma_start3A_432 : memref<10240x128xf32, #tpu.memory_space<vmem_shared>>) offsets(%dma_start3A_429 : memref<50xi32, #tpu.memory_space<vmem>>) semaphore(%arg32 : memref<!tpu.dma_semaphore, #tpu.memory_space<semaphore_mem>>) {add = true}
      } else {
      }
      %mul3A_208 = arith.constant 8 : i32
      %mul3A_209 = arith.muli %mul3A_208, %scan3A_179 : i32
      %add3A_210 = arith.constant 1 : i32
      %add3A_211 = arith.addi %mul3A_209, %add3A_210 : i32
      %add3A_212 = arith.addi %mul3A_2, %add3A_211 : i32
      %dma_wait3A_213 = arith.constant 0 : i32
      %dma_wait3A_214 = arith.constant 0 : i32
      %dma_wait3A_215 = tpu.memref_slice %arg2[%add3A_212, %dma_wait3A_213, %dma_wait3A_214] : memref<6400x2x50xi32, #tpu.memory_space<hbm>> -> memref<1x2x50xi32, #tpu.memory_space<hbm>>
      %dma_wait3A_216 = tpu.memref_squeeze %dma_wait3A_215 : memref<1x2x50xi32, #tpu.memory_space<hbm>> -> memref<2x50xi32, #tpu.memory_space<hbm>>
      %dma_wait3A_217 = arith.constant 0 : i32
      %dma_wait3A_218 = arith.constant 0 : i32
      %dma_wait3A_219 = tpu.memref_slice %arg2[%add3A_212, %dma_wait3A_217, %dma_wait3A_218] : memref<6400x2x50xi32, #tpu.memory_space<hbm>> -> memref<1x2x50xi32, #tpu.memory_space<hbm>>
      %dma_wait3A_220 = tpu.memref_squeeze %dma_wait3A_219 : memref<1x2x50xi32, #tpu.memory_space<hbm>> -> memref<2x50xi32, #tpu.memory_space<hbm>>
      tpu.wait_dma2 semaphore(%arg20 : memref<!tpu.dma_semaphore, #tpu.memory_space<semaphore_mem>>) src(%dma_wait3A_220 : memref<2x50xi32, #tpu.memory_space<hbm>>) dst(%arg6 : memref<2x50xi32, #tpu.memory_space<vmem>>)
      %ge3A_221 = arith.constant 4 : i32
      %ge3A_222 = arith.cmpi sge, %add3A_211, %ge3A_221 : i32
      %convert_element_type3A_223 = arith.extui %ge3A_222 : i1 to i32
      %cond3A_224 = arith.constant 0 : i32
      %cond3A_225 = arith.cmpi ne, %convert_element_type3A_223, %cond3A_224 : i32
      scf.if %cond3A_225 {
        %dma_wait3A_419 = arith.constant 1 : i32
        %dma_wait3A_420 = arith.constant 0 : i32
        %dma_wait3A_421 = tpu.memref_slice %arg10[%dma_wait3A_419, %dma_wait3A_420] : memref<2x50xi32, #tpu.memory_space<vmem>> -> memref<1x50xi32, #tpu.memory_space<vmem>>
        %dma_wait3A_422 = tpu.memref_squeeze %dma_wait3A_421 : memref<1x50xi32, #tpu.memory_space<vmem>> -> memref<50xi32, #tpu.memory_space<vmem>>
        %dma_wait3A_423 = arith.constant 0 : i32
        %dma_wait3A_424 = arith.constant 0 : i32
        %dma_wait3A_425 = tpu.memref_slice %arg18[%dma_wait3A_423, %dma_wait3A_424] : memref<10240x128xf32, #tpu.memory_space<vmem_shared>> -> memref<10240x128xf32, #tpu.memory_space<vmem_shared>>
        tpu.wait_indirect_dma semaphore(%arg32 : memref<!tpu.dma_semaphore, #tpu.memory_space<semaphore_mem>>) src(%arg14 : memref<50x128xf32, #tpu.memory_space<vmem>>) dst(%dma_wait3A_425 : memref<10240x128xf32, #tpu.memory_space<vmem_shared>>)
        %add3A_426 = arith.constant 4 : i32
        %add3A_427 = arith.addi %add3A_211, %add3A_426 : i32
        %lt3A = arith.constant 200 : i32
        %lt3A_428 = arith.cmpi slt, %add3A_427, %lt3A : i32
        %convert_element_type3A_429 = arith.extui %lt3A_428 : i1 to i32
        %cond3A_430 = arith.constant 0 : i32
        %cond3A_431 = arith.cmpi ne, %convert_element_type3A_429, %cond3A_430 : i32
        scf.if %cond3A_431 {
          %add3A_432 = arith.constant 4 : i32
          %add3A_433 = arith.addi %add3A_211, %add3A_432 : i32
          %add3A_434 = arith.addi %mul3A_2, %add3A_433 : i32
          %dma_start3A_435 = arith.constant 0 : i32
          %dma_start3A_436 = arith.constant 0 : i32
          %dma_start3A_437 = tpu.memref_slice %arg2[%add3A_434, %dma_start3A_435, %dma_start3A_436] : memref<6400x2x50xi32, #tpu.memory_space<hbm>> -> memref<1x2x50xi32, #tpu.memory_space<hbm>>
          %dma_start3A_438 = tpu.memref_squeeze %dma_start3A_437 : memref<1x2x50xi32, #tpu.memory_space<hbm>> -> memref<2x50xi32, #tpu.memory_space<hbm>>
          %dma_start3A_439 = arith.constant 0 : i32
          %dma_start3A_440 = arith.constant 0 : i32
          %dma_start3A_441 = tpu.memref_slice %arg2[%add3A_434, %dma_start3A_439, %dma_start3A_440] : memref<6400x2x50xi32, #tpu.memory_space<hbm>> -> memref<1x2x50xi32, #tpu.memory_space<hbm>>
          %dma_start3A_442 = tpu.memref_squeeze %dma_start3A_441 : memref<1x2x50xi32, #tpu.memory_space<hbm>> -> memref<2x50xi32, #tpu.memory_space<hbm>>
          tpu.enqueue_dma source(%dma_start3A_442 : memref<2x50xi32, #tpu.memory_space<hbm>>) target(%arg10 : memref<2x50xi32, #tpu.memory_space<vmem>>) target_semaphore(%arg24 : memref<!tpu.dma_semaphore, #tpu.memory_space<semaphore_mem>>)
        } else {
        }
      } else {
      }
      %dma_start3A_226 = arith.constant 0 : i32
      %dma_start3A_227 = arith.constant 0 : i32
      %dma_start3A_228 = tpu.memref_slice %arg6[%dma_start3A_226, %dma_start3A_227] : memref<2x50xi32, #tpu.memory_space<vmem>> -> memref<1x50xi32, #tpu.memory_space<vmem>>
      %dma_start3A_229 = tpu.memref_squeeze %dma_start3A_228 : memref<1x50xi32, #tpu.memory_space<vmem>> -> memref<50xi32, #tpu.memory_space<vmem>>
      %dma_start3A_230 = arith.constant 0 : i32
      %dma_start3A_231 = arith.constant 0 : i32
      %dma_start3A_232 = tpu.memref_slice %arg3[%dma_start3A_230, %dma_start3A_231] : memref<10000x128xf32, #tpu.memory_space<hbm>> -> memref<10000x128xf32, #tpu.memory_space<hbm>>
      tpu.enqueue_indirect_dma source(%dma_start3A_232 : memref<10000x128xf32, #tpu.memory_space<hbm>>) target(%arg14 : memref<50x128xf32, #tpu.memory_space<vmem>>) offsets(%dma_start3A_229 : memref<50xi32, #tpu.memory_space<vmem>>) semaphore(%arg28 : memref<!tpu.dma_semaphore, #tpu.memory_space<semaphore_mem>>)
      %ge3A_233 = arith.constant 3 : i32
      %ge3A_234 = arith.cmpi sge, %add3A_211, %ge3A_233 : i32
      %convert_element_type3A_235 = arith.extui %ge3A_234 : i1 to i32
      %cond3A_236 = arith.constant 0 : i32
      %cond3A_237 = arith.cmpi ne, %convert_element_type3A_235, %cond3A_236 : i32
      scf.if %cond3A_237 {
        %dma_wait3A_419 = arith.constant 0 : i32
        %dma_wait3A_420 = arith.constant 0 : i32
        %dma_wait3A_421 = tpu.memref_slice %arg11[%dma_wait3A_419, %dma_wait3A_420] : memref<2x50xi32, #tpu.memory_space<vmem>> -> memref<1x50xi32, #tpu.memory_space<vmem>>
        %dma_wait3A_422 = tpu.memref_squeeze %dma_wait3A_421 : memref<1x50xi32, #tpu.memory_space<vmem>> -> memref<50xi32, #tpu.memory_space<vmem>>
        %dma_wait3A_423 = arith.constant 0 : i32
        %dma_wait3A_424 = arith.constant 0 : i32
        %dma_wait3A_425 = tpu.memref_slice %arg3[%dma_wait3A_423, %dma_wait3A_424] : memref<10000x128xf32, #tpu.memory_space<hbm>> -> memref<10000x128xf32, #tpu.memory_space<hbm>>
        tpu.wait_indirect_dma semaphore(%arg29 : memref<!tpu.dma_semaphore, #tpu.memory_space<semaphore_mem>>) src(%dma_wait3A_425 : memref<10000x128xf32, #tpu.memory_space<hbm>>) dst(%arg15 : memref<50x128xf32, #tpu.memory_space<vmem>>)
        %dma_start3A_426 = arith.constant 1 : i32
        %dma_start3A_427 = arith.constant 0 : i32
        %dma_start3A_428 = tpu.memref_slice %arg11[%dma_start3A_426, %dma_start3A_427] : memref<2x50xi32, #tpu.memory_space<vmem>> -> memref<1x50xi32, #tpu.memory_space<vmem>>
        %dma_start3A_429 = tpu.memref_squeeze %dma_start3A_428 : memref<1x50xi32, #tpu.memory_space<vmem>> -> memref<50xi32, #tpu.memory_space<vmem>>
        %dma_start3A_430 = arith.constant 0 : i32
        %dma_start3A_431 = arith.constant 0 : i32
        %dma_start3A_432 = tpu.memref_slice %arg18[%dma_start3A_430, %dma_start3A_431] : memref<10240x128xf32, #tpu.memory_space<vmem_shared>> -> memref<10240x128xf32, #tpu.memory_space<vmem_shared>>
        tpu.enqueue_indirect_dma source(%arg15 : memref<50x128xf32, #tpu.memory_space<vmem>>) target(%dma_start3A_432 : memref<10240x128xf32, #tpu.memory_space<vmem_shared>>) offsets(%dma_start3A_429 : memref<50xi32, #tpu.memory_space<vmem>>) semaphore(%arg33 : memref<!tpu.dma_semaphore, #tpu.memory_space<semaphore_mem>>) {add = true}
      } else {
      }
      %mul3A_238 = arith.constant 8 : i32
      %mul3A_239 = arith.muli %mul3A_238, %scan3A_179 : i32
      %add3A_240 = arith.constant 2 : i32
      %add3A_241 = arith.addi %mul3A_239, %add3A_240 : i32
      %add3A_242 = arith.addi %mul3A_2, %add3A_241 : i32
      %dma_wait3A_243 = arith.constant 0 : i32
      %dma_wait3A_244 = arith.constant 0 : i32
      %dma_wait3A_245 = tpu.memref_slice %arg2[%add3A_242, %dma_wait3A_243, %dma_wait3A_244] : memref<6400x2x50xi32, #tpu.memory_space<hbm>> -> memref<1x2x50xi32, #tpu.memory_space<hbm>>
      %dma_wait3A_246 = tpu.memref_squeeze %dma_wait3A_245 : memref<1x2x50xi32, #tpu.memory_space<hbm>> -> memref<2x50xi32, #tpu.memory_space<hbm>>
      %dma_wait3A_247 = arith.constant 0 : i32
      %dma_wait3A_248 = arith.constant 0 : i32
      %dma_wait3A_249 = tpu.memref_slice %arg2[%add3A_242, %dma_wait3A_247, %dma_wait3A_248] : memref<6400x2x50xi32, #tpu.memory_space<hbm>> -> memref<1x2x50xi32, #tpu.memory_space<hbm>>
      %dma_wait3A_250 = tpu.memref_squeeze %dma_wait3A_249 : memref<1x2x50xi32, #tpu.memory_space<hbm>> -> memref<2x50xi32, #tpu.memory_space<hbm>>
      tpu.wait_dma2 semaphore(%arg21 : memref<!tpu.dma_semaphore, #tpu.memory_space<semaphore_mem>>) src(%dma_wait3A_250 : memref<2x50xi32, #tpu.memory_space<hbm>>) dst(%arg7 : memref<2x50xi32, #tpu.memory_space<vmem>>)
      %ge3A_251 = arith.constant 4 : i32
      %ge3A_252 = arith.cmpi sge, %add3A_241, %ge3A_251 : i32
      %convert_element_type3A_253 = arith.extui %ge3A_252 : i1 to i32
      %cond3A_254 = arith.constant 0 : i32
      %cond3A_255 = arith.cmpi ne, %convert_element_type3A_253, %cond3A_254 : i32
      scf.if %cond3A_255 {
        %dma_wait3A_419 = arith.constant 1 : i32
        %dma_wait3A_420 = arith.constant 0 : i32
        %dma_wait3A_421 = tpu.memref_slice %arg11[%dma_wait3A_419, %dma_wait3A_420] : memref<2x50xi32, #tpu.memory_space<vmem>> -> memref<1x50xi32, #tpu.memory_space<vmem>>
        %dma_wait3A_422 = tpu.memref_squeeze %dma_wait3A_421 : memref<1x50xi32, #tpu.memory_space<vmem>> -> memref<50xi32, #tpu.memory_space<vmem>>
        %dma_wait3A_423 = arith.constant 0 : i32
        %dma_wait3A_424 = arith.constant 0 : i32
        %dma_wait3A_425 = tpu.memref_slice %arg18[%dma_wait3A_423, %dma_wait3A_424] : memref<10240x128xf32, #tpu.memory_space<vmem_shared>> -> memref<10240x128xf32, #tpu.memory_space<vmem_shared>>
        tpu.wait_indirect_dma semaphore(%arg33 : memref<!tpu.dma_semaphore, #tpu.memory_space<semaphore_mem>>) src(%arg15 : memref<50x128xf32, #tpu.memory_space<vmem>>) dst(%dma_wait3A_425 : memref<10240x128xf32, #tpu.memory_space<vmem_shared>>)
        %add3A_426 = arith.constant 4 : i32
        %add3A_427 = arith.addi %add3A_241, %add3A_426 : i32
        %lt3A = arith.constant 200 : i32
        %lt3A_428 = arith.cmpi slt, %add3A_427, %lt3A : i32
        %convert_element_type3A_429 = arith.extui %lt3A_428 : i1 to i32
        %cond3A_430 = arith.constant 0 : i32
        %cond3A_431 = arith.cmpi ne, %convert_element_type3A_429, %cond3A_430 : i32
        scf.if %cond3A_431 {
          %add3A_432 = arith.constant 4 : i32
          %add3A_433 = arith.addi %add3A_241, %add3A_432 : i32
          %add3A_434 = arith.addi %mul3A_2, %add3A_433 : i32
          %dma_start3A_435 = arith.constant 0 : i32
          %dma_start3A_436 = arith.constant 0 : i32
          %dma_start3A_437 = tpu.memref_slice %arg2[%add3A_434, %dma_start3A_435, %dma_start3A_436] : memref<6400x2x50xi32, #tpu.memory_space<hbm>> -> memref<1x2x50xi32, #tpu.memory_space<hbm>>
          %dma_start3A_438 = tpu.memref_squeeze %dma_start3A_437 : memref<1x2x50xi32, #tpu.memory_space<hbm>> -> memref<2x50xi32, #tpu.memory_space<hbm>>
          %dma_start3A_439 = arith.constant 0 : i32
          %dma_start3A_440 = arith.constant 0 : i32
          %dma_start3A_441 = tpu.memref_slice %arg2[%add3A_434, %dma_start3A_439, %dma_start3A_440] : memref<6400x2x50xi32, #tpu.memory_space<hbm>> -> memref<1x2x50xi32, #tpu.memory_space<hbm>>
          %dma_start3A_442 = tpu.memref_squeeze %dma_start3A_441 : memref<1x2x50xi32, #tpu.memory_space<hbm>> -> memref<2x50xi32, #tpu.memory_space<hbm>>
          tpu.enqueue_dma source(%dma_start3A_442 : memref<2x50xi32, #tpu.memory_space<hbm>>) target(%arg11 : memref<2x50xi32, #tpu.memory_space<vmem>>) target_semaphore(%arg25 : memref<!tpu.dma_semaphore, #tpu.memory_space<semaphore_mem>>)
        } else {
        }
      } else {
      }
      %dma_start3A_256 = arith.constant 0 : i32
      %dma_start3A_257 = arith.constant 0 : i32
      %dma_start3A_258 = tpu.memref_slice %arg7[%dma_start3A_256, %dma_start3A_257] : memref<2x50xi32, #tpu.memory_space<vmem>> -> memref<1x50xi32, #tpu.memory_space<vmem>>
      %dma_start3A_259 = tpu.memref_squeeze %dma_start3A_258 : memref<1x50xi32, #tpu.memory_space<vmem>> -> memref<50xi32, #tpu.memory_space<vmem>>
      %dma_start3A_260 = arith.constant 0 : i32
      %dma_start3A_261 = arith.constant 0 : i32
      %dma_start3A_262 = tpu.memref_slice %arg3[%dma_start3A_260, %dma_start3A_261] : memref<10000x128xf32, #tpu.memory_space<hbm>> -> memref<10000x128xf32, #tpu.memory_space<hbm>>
      tpu.enqueue_indirect_dma source(%dma_start3A_262 : memref<10000x128xf32, #tpu.memory_space<hbm>>) target(%arg15 : memref<50x128xf32, #tpu.memory_space<vmem>>) offsets(%dma_start3A_259 : memref<50xi32, #tpu.memory_space<vmem>>) semaphore(%arg29 : memref<!tpu.dma_semaphore, #tpu.memory_space<semaphore_mem>>)
      %ge3A_263 = arith.constant 3 : i32
      %ge3A_264 = arith.cmpi sge, %add3A_241, %ge3A_263 : i32
      %convert_element_type3A_265 = arith.extui %ge3A_264 : i1 to i32
      %cond3A_266 = arith.constant 0 : i32
      %cond3A_267 = arith.cmpi ne, %convert_element_type3A_265, %cond3A_266 : i32
      scf.if %cond3A_267 {
        %dma_wait3A_419 = arith.constant 0 : i32
        %dma_wait3A_420 = arith.constant 0 : i32
        %dma_wait3A_421 = tpu.memref_slice %arg12[%dma_wait3A_419, %dma_wait3A_420] : memref<2x50xi32, #tpu.memory_space<vmem>> -> memref<1x50xi32, #tpu.memory_space<vmem>>
        %dma_wait3A_422 = tpu.memref_squeeze %dma_wait3A_421 : memref<1x50xi32, #tpu.memory_space<vmem>> -> memref<50xi32, #tpu.memory_space<vmem>>
        %dma_wait3A_423 = arith.constant 0 : i32
        %dma_wait3A_424 = arith.constant 0 : i32
        %dma_wait3A_425 = tpu.memref_slice %arg3[%dma_wait3A_423, %dma_wait3A_424] : memref<10000x128xf32, #tpu.memory_space<hbm>> -> memref<10000x128xf32, #tpu.memory_space<hbm>>
        tpu.wait_indirect_dma semaphore(%arg30 : memref<!tpu.dma_semaphore, #tpu.memory_space<semaphore_mem>>) src(%dma_wait3A_425 : memref<10000x128xf32, #tpu.memory_space<hbm>>) dst(%arg16 : memref<50x128xf32, #tpu.memory_space<vmem>>)
        %dma_start3A_426 = arith.constant 1 : i32
        %dma_start3A_427 = arith.constant 0 : i32
        %dma_start3A_428 = tpu.memref_slice %arg12[%dma_start3A_426, %dma_start3A_427] : memref<2x50xi32, #tpu.memory_space<vmem>> -> memref<1x50xi32, #tpu.memory_space<vmem>>
        %dma_start3A_429 = tpu.memref_squeeze %dma_start3A_428 : memref<1x50xi32, #tpu.memory_space<vmem>> -> memref<50xi32, #tpu.memory_space<vmem>>
        %dma_start3A_430 = arith.constant 0 : i32
        %dma_start3A_431 = arith.constant 0 : i32
        %dma_start3A_432 = tpu.memref_slice %arg18[%dma_start3A_430, %dma_start3A_431] : memref<10240x128xf32, #tpu.memory_space<vmem_shared>> -> memref<10240x128xf32, #tpu.memory_space<vmem_shared>>
        tpu.enqueue_indirect_dma source(%arg16 : memref<50x128xf32, #tpu.memory_space<vmem>>) target(%dma_start3A_432 : memref<10240x128xf32, #tpu.memory_space<vmem_shared>>) offsets(%dma_start3A_429 : memref<50xi32, #tpu.memory_space<vmem>>) semaphore(%arg34 : memref<!tpu.dma_semaphore, #tpu.memory_space<semaphore_mem>>) {add = true}
      } else {
      }
      %mul3A_268 = arith.constant 8 : i32
      %mul3A_269 = arith.muli %mul3A_268, %scan3A_179 : i32
      %add3A_270 = arith.constant 3 : i32
      %add3A_271 = arith.addi %mul3A_269, %add3A_270 : i32
      %add3A_272 = arith.addi %mul3A_2, %add3A_271 : i32
      %dma_wait3A_273 = arith.constant 0 : i32
      %dma_wait3A_274 = arith.constant 0 : i32
      %dma_wait3A_275 = tpu.memref_slice %arg2[%add3A_272, %dma_wait3A_273, %dma_wait3A_274] : memref<6400x2x50xi32, #tpu.memory_space<hbm>> -> memref<1x2x50xi32, #tpu.memory_space<hbm>>
      %dma_wait3A_276 = tpu.memref_squeeze %dma_wait3A_275 : memref<1x2x50xi32, #tpu.memory_space<hbm>> -> memref<2x50xi32, #tpu.memory_space<hbm>>
      %dma_wait3A_277 = arith.constant 0 : i32
      %dma_wait3A_278 = arith.constant 0 : i32
      %dma_wait3A_279 = tpu.memref_slice %arg2[%add3A_272, %dma_wait3A_277, %dma_wait3A_278] : memref<6400x2x50xi32, #tpu.memory_space<hbm>> -> memref<1x2x50xi32, #tpu.memory_space<hbm>>
      %dma_wait3A_280 = tpu.memref_squeeze %dma_wait3A_279 : memref<1x2x50xi32, #tpu.memory_space<hbm>> -> memref<2x50xi32, #tpu.memory_space<hbm>>
      tpu.wait_dma2 semaphore(%arg22 : memref<!tpu.dma_semaphore, #tpu.memory_space<semaphore_mem>>) src(%dma_wait3A_280 : memref<2x50xi32, #tpu.memory_space<hbm>>) dst(%arg8 : memref<2x50xi32, #tpu.memory_space<vmem>>)
      %ge3A_281 = arith.constant 4 : i32
      %ge3A_282 = arith.cmpi sge, %add3A_271, %ge3A_281 : i32
      %convert_element_type3A_283 = arith.extui %ge3A_282 : i1 to i32
      %cond3A_284 = arith.constant 0 : i32
      %cond3A_285 = arith.cmpi ne, %convert_element_type3A_283, %cond3A_284 : i32
      scf.if %cond3A_285 {
        %dma_wait3A_419 = arith.constant 1 : i32
        %dma_wait3A_420 = arith.constant 0 : i32
        %dma_wait3A_421 = tpu.memref_slice %arg12[%dma_wait3A_419, %dma_wait3A_420] : memref<2x50xi32, #tpu.memory_space<vmem>> -> memref<1x50xi32, #tpu.memory_space<vmem>>
        %dma_wait3A_422 = tpu.memref_squeeze %dma_wait3A_421 : memref<1x50xi32, #tpu.memory_space<vmem>> -> memref<50xi32, #tpu.memory_space<vmem>>
        %dma_wait3A_423 = arith.constant 0 : i32
        %dma_wait3A_424 = arith.constant 0 : i32
        %dma_wait3A_425 = tpu.memref_slice %arg18[%dma_wait3A_423, %dma_wait3A_424] : memref<10240x128xf32, #tpu.memory_space<vmem_shared>> -> memref<10240x128xf32, #tpu.memory_space<vmem_shared>>
        tpu.wait_indirect_dma semaphore(%arg34 : memref<!tpu.dma_semaphore, #tpu.memory_space<semaphore_mem>>) src(%arg16 : memref<50x128xf32, #tpu.memory_space<vmem>>) dst(%dma_wait3A_425 : memref<10240x128xf32, #tpu.memory_space<vmem_shared>>)
        %add3A_426 = arith.constant 4 : i32
        %add3A_427 = arith.addi %add3A_271, %add3A_426 : i32
        %lt3A = arith.constant 200 : i32
        %lt3A_428 = arith.cmpi slt, %add3A_427, %lt3A : i32
        %convert_element_type3A_429 = arith.extui %lt3A_428 : i1 to i32
        %cond3A_430 = arith.constant 0 : i32
        %cond3A_431 = arith.cmpi ne, %convert_element_type3A_429, %cond3A_430 : i32
        scf.if %cond3A_431 {
          %add3A_432 = arith.constant 4 : i32
          %add3A_433 = arith.addi %add3A_271, %add3A_432 : i32
          %add3A_434 = arith.addi %mul3A_2, %add3A_433 : i32
          %dma_start3A_435 = arith.constant 0 : i32
          %dma_start3A_436 = arith.constant 0 : i32
          %dma_start3A_437 = tpu.memref_slice %arg2[%add3A_434, %dma_start3A_435, %dma_start3A_436] : memref<6400x2x50xi32, #tpu.memory_space<hbm>> -> memref<1x2x50xi32, #tpu.memory_space<hbm>>
          %dma_start3A_438 = tpu.memref_squeeze %dma_start3A_437 : memref<1x2x50xi32, #tpu.memory_space<hbm>> -> memref<2x50xi32, #tpu.memory_space<hbm>>
          %dma_start3A_439 = arith.constant 0 : i32
          %dma_start3A_440 = arith.constant 0 : i32
          %dma_start3A_441 = tpu.memref_slice %arg2[%add3A_434, %dma_start3A_439, %dma_start3A_440] : memref<6400x2x50xi32, #tpu.memory_space<hbm>> -> memref<1x2x50xi32, #tpu.memory_space<hbm>>
          %dma_start3A_442 = tpu.memref_squeeze %dma_start3A_441 : memref<1x2x50xi32, #tpu.memory_space<hbm>> -> memref<2x50xi32, #tpu.memory_space<hbm>>
          tpu.enqueue_dma source(%dma_start3A_442 : memref<2x50xi32, #tpu.memory_space<hbm>>) target(%arg12 : memref<2x50xi32, #tpu.memory_space<vmem>>) target_semaphore(%arg26 : memref<!tpu.dma_semaphore, #tpu.memory_space<semaphore_mem>>)
        } else {
        }
      } else {
      }
      %dma_start3A_286 = arith.constant 0 : i32
      %dma_start3A_287 = arith.constant 0 : i32
      %dma_start3A_288 = tpu.memref_slice %arg8[%dma_start3A_286, %dma_start3A_287] : memref<2x50xi32, #tpu.memory_space<vmem>> -> memref<1x50xi32, #tpu.memory_space<vmem>>
      %dma_start3A_289 = tpu.memref_squeeze %dma_start3A_288 : memref<1x50xi32, #tpu.memory_space<vmem>> -> memref<50xi32, #tpu.memory_space<vmem>>
      %dma_start3A_290 = arith.constant 0 : i32
      %dma_start3A_291 = arith.constant 0 : i32
      %dma_start3A_292 = tpu.memref_slice %arg3[%dma_start3A_290, %dma_start3A_291] : memref<10000x128xf32, #tpu.memory_space<hbm>> -> memref<10000x128xf32, #tpu.memory_space<hbm>>
      tpu.enqueue_indirect_dma source(%dma_start3A_292 : memref<10000x128xf32, #tpu.memory_space<hbm>>) target(%arg16 : memref<50x128xf32, #tpu.memory_space<vmem>>) offsets(%dma_start3A_289 : memref<50xi32, #tpu.memory_space<vmem>>) semaphore(%arg30 : memref<!tpu.dma_semaphore, #tpu.memory_space<semaphore_mem>>)
      %ge3A_293 = arith.constant 3 : i32
      %ge3A_294 = arith.cmpi sge, %add3A_271, %ge3A_293 : i32
      %convert_element_type3A_295 = arith.extui %ge3A_294 : i1 to i32
      %cond3A_296 = arith.constant 0 : i32
      %cond3A_297 = arith.cmpi ne, %convert_element_type3A_295, %cond3A_296 : i32
      scf.if %cond3A_297 {
        %dma_wait3A_419 = arith.constant 0 : i32
        %dma_wait3A_420 = arith.constant 0 : i32
        %dma_wait3A_421 = tpu.memref_slice %arg5[%dma_wait3A_419, %dma_wait3A_420] : memref<2x50xi32, #tpu.memory_space<vmem>> -> memref<1x50xi32, #tpu.memory_space<vmem>>
        %dma_wait3A_422 = tpu.memref_squeeze %dma_wait3A_421 : memref<1x50xi32, #tpu.memory_space<vmem>> -> memref<50xi32, #tpu.memory_space<vmem>>
        %dma_wait3A_423 = arith.constant 0 : i32
        %dma_wait3A_424 = arith.constant 0 : i32
        %dma_wait3A_425 = tpu.memref_slice %arg3[%dma_wait3A_423, %dma_wait3A_424] : memref<10000x128xf32, #tpu.memory_space<hbm>> -> memref<10000x128xf32, #tpu.memory_space<hbm>>
        tpu.wait_indirect_dma semaphore(%arg27 : memref<!tpu.dma_semaphore, #tpu.memory_space<semaphore_mem>>) src(%dma_wait3A_425 : memref<10000x128xf32, #tpu.memory_space<hbm>>) dst(%arg13 : memref<50x128xf32, #tpu.memory_space<vmem>>)
        %dma_start3A_426 = arith.constant 1 : i32
        %dma_start3A_427 = arith.constant 0 : i32
        %dma_start3A_428 = tpu.memref_slice %arg5[%dma_start3A_426, %dma_start3A_427] : memref<2x50xi32, #tpu.memory_space<vmem>> -> memref<1x50xi32, #tpu.memory_space<vmem>>
        %dma_start3A_429 = tpu.memref_squeeze %dma_start3A_428 : memref<1x50xi32, #tpu.memory_space<vmem>> -> memref<50xi32, #tpu.memory_space<vmem>>
        %dma_start3A_430 = arith.constant 0 : i32
        %dma_start3A_431 = arith.constant 0 : i32
        %dma_start3A_432 = tpu.memref_slice %arg18[%dma_start3A_430, %dma_start3A_431] : memref<10240x128xf32, #tpu.memory_space<vmem_shared>> -> memref<10240x128xf32, #tpu.memory_space<vmem_shared>>
        tpu.enqueue_indirect_dma source(%arg13 : memref<50x128xf32, #tpu.memory_space<vmem>>) target(%dma_start3A_432 : memref<10240x128xf32, #tpu.memory_space<vmem_shared>>) offsets(%dma_start3A_429 : memref<50xi32, #tpu.memory_space<vmem>>) semaphore(%arg31 : memref<!tpu.dma_semaphore, #tpu.memory_space<semaphore_mem>>) {add = true}
      } else {
      }
      %mul3A_298 = arith.constant 8 : i32
      %mul3A_299 = arith.muli %mul3A_298, %scan3A_179 : i32
      %add3A_300 = arith.constant 4 : i32
      %add3A_301 = arith.addi %mul3A_299, %add3A_300 : i32
      %add3A_302 = arith.addi %mul3A_2, %add3A_301 : i32
      %dma_wait3A_303 = arith.constant 0 : i32
      %dma_wait3A_304 = arith.constant 0 : i32
      %dma_wait3A_305 = tpu.memref_slice %arg2[%add3A_302, %dma_wait3A_303, %dma_wait3A_304] : memref<6400x2x50xi32, #tpu.memory_space<hbm>> -> memref<1x2x50xi32, #tpu.memory_space<hbm>>
      %dma_wait3A_306 = tpu.memref_squeeze %dma_wait3A_305 : memref<1x2x50xi32, #tpu.memory_space<hbm>> -> memref<2x50xi32, #tpu.memory_space<hbm>>
      %dma_wait3A_307 = arith.constant 0 : i32
      %dma_wait3A_308 = arith.constant 0 : i32
      %dma_wait3A_309 = tpu.memref_slice %arg2[%add3A_302, %dma_wait3A_307, %dma_wait3A_308] : memref<6400x2x50xi32, #tpu.memory_space<hbm>> -> memref<1x2x50xi32, #tpu.memory_space<hbm>>
      %dma_wait3A_310 = tpu.memref_squeeze %dma_wait3A_309 : memref<1x2x50xi32, #tpu.memory_space<hbm>> -> memref<2x50xi32, #tpu.memory_space<hbm>>
      tpu.wait_dma2 semaphore(%arg23 : memref<!tpu.dma_semaphore, #tpu.memory_space<semaphore_mem>>) src(%dma_wait3A_310 : memref<2x50xi32, #tpu.memory_space<hbm>>) dst(%arg9 : memref<2x50xi32, #tpu.memory_space<vmem>>)
      %ge3A_311 = arith.constant 4 : i32
      %ge3A_312 = arith.cmpi sge, %add3A_301, %ge3A_311 : i32
      %convert_element_type3A_313 = arith.extui %ge3A_312 : i1 to i32
      %cond3A_314 = arith.constant 0 : i32
      %cond3A_315 = arith.cmpi ne, %convert_element_type3A_313, %cond3A_314 : i32
      scf.if %cond3A_315 {
        %dma_wait3A_419 = arith.constant 1 : i32
        %dma_wait3A_420 = arith.constant 0 : i32
        %dma_wait3A_421 = tpu.memref_slice %arg5[%dma_wait3A_419, %dma_wait3A_420] : memref<2x50xi32, #tpu.memory_space<vmem>> -> memref<1x50xi32, #tpu.memory_space<vmem>>
        %dma_wait3A_422 = tpu.memref_squeeze %dma_wait3A_421 : memref<1x50xi32, #tpu.memory_space<vmem>> -> memref<50xi32, #tpu.memory_space<vmem>>
        %dma_wait3A_423 = arith.constant 0 : i32
        %dma_wait3A_424 = arith.constant 0 : i32
        %dma_wait3A_425 = tpu.memref_slice %arg18[%dma_wait3A_423, %dma_wait3A_424] : memref<10240x128xf32, #tpu.memory_space<vmem_shared>> -> memref<10240x128xf32, #tpu.memory_space<vmem_shared>>
        tpu.wait_indirect_dma semaphore(%arg31 : memref<!tpu.dma_semaphore, #tpu.memory_space<semaphore_mem>>) src(%arg13 : memref<50x128xf32, #tpu.memory_space<vmem>>) dst(%dma_wait3A_425 : memref<10240x128xf32, #tpu.memory_space<vmem_shared>>)
        %add3A_426 = arith.constant 4 : i32
        %add3A_427 = arith.addi %add3A_301, %add3A_426 : i32
        %lt3A = arith.constant 200 : i32
        %lt3A_428 = arith.cmpi slt, %add3A_427, %lt3A : i32
        %convert_element_type3A_429 = arith.extui %lt3A_428 : i1 to i32
        %cond3A_430 = arith.constant 0 : i32
        %cond3A_431 = arith.cmpi ne, %convert_element_type3A_429, %cond3A_430 : i32
        scf.if %cond3A_431 {
          %add3A_432 = arith.constant 4 : i32
          %add3A_433 = arith.addi %add3A_301, %add3A_432 : i32
          %add3A_434 = arith.addi %mul3A_2, %add3A_433 : i32
          %dma_start3A_435 = arith.constant 0 : i32
          %dma_start3A_436 = arith.constant 0 : i32
          %dma_start3A_437 = tpu.memref_slice %arg2[%add3A_434, %dma_start3A_435, %dma_start3A_436] : memref<6400x2x50xi32, #tpu.memory_space<hbm>> -> memref<1x2x50xi32, #tpu.memory_space<hbm>>
          %dma_start3A_438 = tpu.memref_squeeze %dma_start3A_437 : memref<1x2x50xi32, #tpu.memory_space<hbm>> -> memref<2x50xi32, #tpu.memory_space<hbm>>
          %dma_start3A_439 = arith.constant 0 : i32
          %dma_start3A_440 = arith.constant 0 : i32
          %dma_start3A_441 = tpu.memref_slice %arg2[%add3A_434, %dma_start3A_439, %dma_start3A_440] : memref<6400x2x50xi32, #tpu.memory_space<hbm>> -> memref<1x2x50xi32, #tpu.memory_space<hbm>>
          %dma_start3A_442 = tpu.memref_squeeze %dma_start3A_441 : memref<1x2x50xi32, #tpu.memory_space<hbm>> -> memref<2x50xi32, #tpu.memory_space<hbm>>
          tpu.enqueue_dma source(%dma_start3A_442 : memref<2x50xi32, #tpu.memory_space<hbm>>) target(%arg5 : memref<2x50xi32, #tpu.memory_space<vmem>>) target_semaphore(%arg19 : memref<!tpu.dma_semaphore, #tpu.memory_space<semaphore_mem>>)
        } else {
        }
      } else {
      }
      %dma_start3A_316 = arith.constant 0 : i32
      %dma_start3A_317 = arith.constant 0 : i32
      %dma_start3A_318 = tpu.memref_slice %arg9[%dma_start3A_316, %dma_start3A_317] : memref<2x50xi32, #tpu.memory_space<vmem>> -> memref<1x50xi32, #tpu.memory_space<vmem>>
      %dma_start3A_319 = tpu.memref_squeeze %dma_start3A_318 : memref<1x50xi32, #tpu.memory_space<vmem>> -> memref<50xi32, #tpu.memory_space<vmem>>
      %dma_start3A_320 = arith.constant 0 : i32
      %dma_start3A_321 = arith.constant 0 : i32
      %dma_start3A_322 = tpu.memref_slice %arg3[%dma_start3A_320, %dma_start3A_321] : memref<10000x128xf32, #tpu.memory_space<hbm>> -> memref<10000x128xf32, #tpu.memory_space<hbm>>
      tpu.enqueue_indirect_dma source(%dma_start3A_322 : memref<10000x128xf32, #tpu.memory_space<hbm>>) target(%arg13 : memref<50x128xf32, #tpu.memory_space<vmem>>) offsets(%dma_start3A_319 : memref<50xi32, #tpu.memory_space<vmem>>) semaphore(%arg27 : memref<!tpu.dma_semaphore, #tpu.memory_space<semaphore_mem>>)
      %ge3A_323 = arith.constant 3 : i32
      %ge3A_324 = arith.cmpi sge, %add3A_301, %ge3A_323 : i32
      %convert_element_type3A_325 = arith.extui %ge3A_324 : i1 to i32
      %cond3A_326 = arith.constant 0 : i32
      %cond3A_327 = arith.cmpi ne, %convert_element_type3A_325, %cond3A_326 : i32
      scf.if %cond3A_327 {
        %dma_wait3A_419 = arith.constant 0 : i32
        %dma_wait3A_420 = arith.constant 0 : i32
        %dma_wait3A_421 = tpu.memref_slice %arg6[%dma_wait3A_419, %dma_wait3A_420] : memref<2x50xi32, #tpu.memory_space<vmem>> -> memref<1x50xi32, #tpu.memory_space<vmem>>
        %dma_wait3A_422 = tpu.memref_squeeze %dma_wait3A_421 : memref<1x50xi32, #tpu.memory_space<vmem>> -> memref<50xi32, #tpu.memory_space<vmem>>
        %dma_wait3A_423 = arith.constant 0 : i32
        %dma_wait3A_424 = arith.constant 0 : i32
        %dma_wait3A_425 = tpu.memref_slice %arg3[%dma_wait3A_423, %dma_wait3A_424] : memref<10000x128xf32, #tpu.memory_space<hbm>> -> memref<10000x128xf32, #tpu.memory_space<hbm>>
        tpu.wait_indirect_dma semaphore(%arg28 : memref<!tpu.dma_semaphore, #tpu.memory_space<semaphore_mem>>) src(%dma_wait3A_425 : memref<10000x128xf32, #tpu.memory_space<hbm>>) dst(%arg14 : memref<50x128xf32, #tpu.memory_space<vmem>>)
        %dma_start3A_426 = arith.constant 1 : i32
        %dma_start3A_427 = arith.constant 0 : i32
        %dma_start3A_428 = tpu.memref_slice %arg6[%dma_start3A_426, %dma_start3A_427] : memref<2x50xi32, #tpu.memory_space<vmem>> -> memref<1x50xi32, #tpu.memory_space<vmem>>
        %dma_start3A_429 = tpu.memref_squeeze %dma_start3A_428 : memref<1x50xi32, #tpu.memory_space<vmem>> -> memref<50xi32, #tpu.memory_space<vmem>>
        %dma_start3A_430 = arith.constant 0 : i32
        %dma_start3A_431 = arith.constant 0 : i32
        %dma_start3A_432 = tpu.memref_slice %arg18[%dma_start3A_430, %dma_start3A_431] : memref<10240x128xf32, #tpu.memory_space<vmem_shared>> -> memref<10240x128xf32, #tpu.memory_space<vmem_shared>>
        tpu.enqueue_indirect_dma source(%arg14 : memref<50x128xf32, #tpu.memory_space<vmem>>) target(%dma_start3A_432 : memref<10240x128xf32, #tpu.memory_space<vmem_shared>>) offsets(%dma_start3A_429 : memref<50xi32, #tpu.memory_space<vmem>>) semaphore(%arg32 : memref<!tpu.dma_semaphore, #tpu.memory_space<semaphore_mem>>) {add = true}
      } else {
      }
      %mul3A_328 = arith.constant 8 : i32
      %mul3A_329 = arith.muli %mul3A_328, %scan3A_179 : i32
      %add3A_330 = arith.constant 5 : i32
      %add3A_331 = arith.addi %mul3A_329, %add3A_330 : i32
      %add3A_332 = arith.addi %mul3A_2, %add3A_331 : i32
      %dma_wait3A_333 = arith.constant 0 : i32
      %dma_wait3A_334 = arith.constant 0 : i32
      %dma_wait3A_335 = tpu.memref_slice %arg2[%add3A_332, %dma_wait3A_333, %dma_wait3A_334] : memref<6400x2x50xi32, #tpu.memory_space<hbm>> -> memref<1x2x50xi32, #tpu.memory_space<hbm>>
      %dma_wait3A_336 = tpu.memref_squeeze %dma_wait3A_335 : memref<1x2x50xi32, #tpu.memory_space<hbm>> -> memref<2x50xi32, #tpu.memory_space<hbm>>
      %dma_wait3A_337 = arith.constant 0 : i32
      %dma_wait3A_338 = arith.constant 0 : i32
      %dma_wait3A_339 = tpu.memref_slice %arg2[%add3A_332, %dma_wait3A_337, %dma_wait3A_338] : memref<6400x2x50xi32, #tpu.memory_space<hbm>> -> memref<1x2x50xi32, #tpu.memory_space<hbm>>
      %dma_wait3A_340 = tpu.memref_squeeze %dma_wait3A_339 : memref<1x2x50xi32, #tpu.memory_space<hbm>> -> memref<2x50xi32, #tpu.memory_space<hbm>>
      tpu.wait_dma2 semaphore(%arg24 : memref<!tpu.dma_semaphore, #tpu.memory_space<semaphore_mem>>) src(%dma_wait3A_340 : memref<2x50xi32, #tpu.memory_space<hbm>>) dst(%arg10 : memref<2x50xi32, #tpu.memory_space<vmem>>)
      %ge3A_341 = arith.constant 4 : i32
      %ge3A_342 = arith.cmpi sge, %add3A_331, %ge3A_341 : i32
      %convert_element_type3A_343 = arith.extui %ge3A_342 : i1 to i32
      %cond3A_344 = arith.constant 0 : i32
      %cond3A_345 = arith.cmpi ne, %convert_element_type3A_343, %cond3A_344 : i32
      scf.if %cond3A_345 {
        %dma_wait3A_419 = arith.constant 1 : i32
        %dma_wait3A_420 = arith.constant 0 : i32
        %dma_wait3A_421 = tpu.memref_slice %arg6[%dma_wait3A_419, %dma_wait3A_420] : memref<2x50xi32, #tpu.memory_space<vmem>> -> memref<1x50xi32, #tpu.memory_space<vmem>>
        %dma_wait3A_422 = tpu.memref_squeeze %dma_wait3A_421 : memref<1x50xi32, #tpu.memory_space<vmem>> -> memref<50xi32, #tpu.memory_space<vmem>>
        %dma_wait3A_423 = arith.constant 0 : i32
        %dma_wait3A_424 = arith.constant 0 : i32
        %dma_wait3A_425 = tpu.memref_slice %arg18[%dma_wait3A_423, %dma_wait3A_424] : memref<10240x128xf32, #tpu.memory_space<vmem_shared>> -> memref<10240x128xf32, #tpu.memory_space<vmem_shared>>
        tpu.wait_indirect_dma semaphore(%arg32 : memref<!tpu.dma_semaphore, #tpu.memory_space<semaphore_mem>>) src(%arg14 : memref<50x128xf32, #tpu.memory_space<vmem>>) dst(%dma_wait3A_425 : memref<10240x128xf32, #tpu.memory_space<vmem_shared>>)
        %add3A_426 = arith.constant 4 : i32
        %add3A_427 = arith.addi %add3A_331, %add3A_426 : i32
        %lt3A = arith.constant 200 : i32
        %lt3A_428 = arith.cmpi slt, %add3A_427, %lt3A : i32
        %convert_element_type3A_429 = arith.extui %lt3A_428 : i1 to i32
        %cond3A_430 = arith.constant 0 : i32
        %cond3A_431 = arith.cmpi ne, %convert_element_type3A_429, %cond3A_430 : i32
        scf.if %cond3A_431 {
          %add3A_432 = arith.constant 4 : i32
          %add3A_433 = arith.addi %add3A_331, %add3A_432 : i32
          %add3A_434 = arith.addi %mul3A_2, %add3A_433 : i32
          %dma_start3A_435 = arith.constant 0 : i32
          %dma_start3A_436 = arith.constant 0 : i32
          %dma_start3A_437 = tpu.memref_slice %arg2[%add3A_434, %dma_start3A_435, %dma_start3A_436] : memref<6400x2x50xi32, #tpu.memory_space<hbm>> -> memref<1x2x50xi32, #tpu.memory_space<hbm>>
          %dma_start3A_438 = tpu.memref_squeeze %dma_start3A_437 : memref<1x2x50xi32, #tpu.memory_space<hbm>> -> memref<2x50xi32, #tpu.memory_space<hbm>>
          %dma_start3A_439 = arith.constant 0 : i32
          %dma_start3A_440 = arith.constant 0 : i32
          %dma_start3A_441 = tpu.memref_slice %arg2[%add3A_434, %dma_start3A_439, %dma_start3A_440] : memref<6400x2x50xi32, #tpu.memory_space<hbm>> -> memref<1x2x50xi32, #tpu.memory_space<hbm>>
          %dma_start3A_442 = tpu.memref_squeeze %dma_start3A_441 : memref<1x2x50xi32, #tpu.memory_space<hbm>> -> memref<2x50xi32, #tpu.memory_space<hbm>>
          tpu.enqueue_dma source(%dma_start3A_442 : memref<2x50xi32, #tpu.memory_space<hbm>>) target(%arg6 : memref<2x50xi32, #tpu.memory_space<vmem>>) target_semaphore(%arg20 : memref<!tpu.dma_semaphore, #tpu.memory_space<semaphore_mem>>)
        } else {
        }
      } else {
      }
      %dma_start3A_346 = arith.constant 0 : i32
      %dma_start3A_347 = arith.constant 0 : i32
      %dma_start3A_348 = tpu.memref_slice %arg10[%dma_start3A_346, %dma_start3A_347] : memref<2x50xi32, #tpu.memory_space<vmem>> -> memref<1x50xi32, #tpu.memory_space<vmem>>
      %dma_start3A_349 = tpu.memref_squeeze %dma_start3A_348 : memref<1x50xi32, #tpu.memory_space<vmem>> -> memref<50xi32, #tpu.memory_space<vmem>>
      %dma_start3A_350 = arith.constant 0 : i32
      %dma_start3A_351 = arith.constant 0 : i32
      %dma_start3A_352 = tpu.memref_slice %arg3[%dma_start3A_350, %dma_start3A_351] : memref<10000x128xf32, #tpu.memory_space<hbm>> -> memref<10000x128xf32, #tpu.memory_space<hbm>>
      tpu.enqueue_indirect_dma source(%dma_start3A_352 : memref<10000x128xf32, #tpu.memory_space<hbm>>) target(%arg14 : memref<50x128xf32, #tpu.memory_space<vmem>>) offsets(%dma_start3A_349 : memref<50xi32, #tpu.memory_space<vmem>>) semaphore(%arg28 : memref<!tpu.dma_semaphore, #tpu.memory_space<semaphore_mem>>)
      %ge3A_353 = arith.constant 3 : i32
      %ge3A_354 = arith.cmpi sge, %add3A_331, %ge3A_353 : i32
      %convert_element_type3A_355 = arith.extui %ge3A_354 : i1 to i32
      %cond3A_356 = arith.constant 0 : i32
      %cond3A_357 = arith.cmpi ne, %convert_element_type3A_355, %cond3A_356 : i32
      scf.if %cond3A_357 {
        %dma_wait3A_419 = arith.constant 0 : i32
        %dma_wait3A_420 = arith.constant 0 : i32
        %dma_wait3A_421 = tpu.memref_slice %arg7[%dma_wait3A_419, %dma_wait3A_420] : memref<2x50xi32, #tpu.memory_space<vmem>> -> memref<1x50xi32, #tpu.memory_space<vmem>>
        %dma_wait3A_422 = tpu.memref_squeeze %dma_wait3A_421 : memref<1x50xi32, #tpu.memory_space<vmem>> -> memref<50xi32, #tpu.memory_space<vmem>>
        %dma_wait3A_423 = arith.constant 0 : i32
        %dma_wait3A_424 = arith.constant 0 : i32
        %dma_wait3A_425 = tpu.memref_slice %arg3[%dma_wait3A_423, %dma_wait3A_424] : memref<10000x128xf32, #tpu.memory_space<hbm>> -> memref<10000x128xf32, #tpu.memory_space<hbm>>
        tpu.wait_indirect_dma semaphore(%arg29 : memref<!tpu.dma_semaphore, #tpu.memory_space<semaphore_mem>>) src(%dma_wait3A_425 : memref<10000x128xf32, #tpu.memory_space<hbm>>) dst(%arg15 : memref<50x128xf32, #tpu.memory_space<vmem>>)
        %dma_start3A_426 = arith.constant 1 : i32
        %dma_start3A_427 = arith.constant 0 : i32
        %dma_start3A_428 = tpu.memref_slice %arg7[%dma_start3A_426, %dma_start3A_427] : memref<2x50xi32, #tpu.memory_space<vmem>> -> memref<1x50xi32, #tpu.memory_space<vmem>>
        %dma_start3A_429 = tpu.memref_squeeze %dma_start3A_428 : memref<1x50xi32, #tpu.memory_space<vmem>> -> memref<50xi32, #tpu.memory_space<vmem>>
        %dma_start3A_430 = arith.constant 0 : i32
        %dma_start3A_431 = arith.constant 0 : i32
        %dma_start3A_432 = tpu.memref_slice %arg18[%dma_start3A_430, %dma_start3A_431] : memref<10240x128xf32, #tpu.memory_space<vmem_shared>> -> memref<10240x128xf32, #tpu.memory_space<vmem_shared>>
        tpu.enqueue_indirect_dma source(%arg15 : memref<50x128xf32, #tpu.memory_space<vmem>>) target(%dma_start3A_432 : memref<10240x128xf32, #tpu.memory_space<vmem_shared>>) offsets(%dma_start3A_429 : memref<50xi32, #tpu.memory_space<vmem>>) semaphore(%arg33 : memref<!tpu.dma_semaphore, #tpu.memory_space<semaphore_mem>>) {add = true}
      } else {
      }
      %mul3A_358 = arith.constant 8 : i32
      %mul3A_359 = arith.muli %mul3A_358, %scan3A_179 : i32
      %add3A_360 = arith.constant 6 : i32
      %add3A_361 = arith.addi %mul3A_359, %add3A_360 : i32
      %add3A_362 = arith.addi %mul3A_2, %add3A_361 : i32
      %dma_wait3A_363 = arith.constant 0 : i32
      %dma_wait3A_364 = arith.constant 0 : i32
      %dma_wait3A_365 = tpu.memref_slice %arg2[%add3A_362, %dma_wait3A_363, %dma_wait3A_364] : memref<6400x2x50xi32, #tpu.memory_space<hbm>> -> memref<1x2x50xi32, #tpu.memory_space<hbm>>
      %dma_wait3A_366 = tpu.memref_squeeze %dma_wait3A_365 : memref<1x2x50xi32, #tpu.memory_space<hbm>> -> memref<2x50xi32, #tpu.memory_space<hbm>>
      %dma_wait3A_367 = arith.constant 0 : i32
      %dma_wait3A_368 = arith.constant 0 : i32
      %dma_wait3A_369 = tpu.memref_slice %arg2[%add3A_362, %dma_wait3A_367, %dma_wait3A_368] : memref<6400x2x50xi32, #tpu.memory_space<hbm>> -> memref<1x2x50xi32, #tpu.memory_space<hbm>>
      %dma_wait3A_370 = tpu.memref_squeeze %dma_wait3A_369 : memref<1x2x50xi32, #tpu.memory_space<hbm>> -> memref<2x50xi32, #tpu.memory_space<hbm>>
      tpu.wait_dma2 semaphore(%arg25 : memref<!tpu.dma_semaphore, #tpu.memory_space<semaphore_mem>>) src(%dma_wait3A_370 : memref<2x50xi32, #tpu.memory_space<hbm>>) dst(%arg11 : memref<2x50xi32, #tpu.memory_space<vmem>>)
      %ge3A_371 = arith.constant 4 : i32
      %ge3A_372 = arith.cmpi sge, %add3A_361, %ge3A_371 : i32
      %convert_element_type3A_373 = arith.extui %ge3A_372 : i1 to i32
      %cond3A_374 = arith.constant 0 : i32
      %cond3A_375 = arith.cmpi ne, %convert_element_type3A_373, %cond3A_374 : i32
      scf.if %cond3A_375 {
        %dma_wait3A_419 = arith.constant 1 : i32
        %dma_wait3A_420 = arith.constant 0 : i32
        %dma_wait3A_421 = tpu.memref_slice %arg7[%dma_wait3A_419, %dma_wait3A_420] : memref<2x50xi32, #tpu.memory_space<vmem>> -> memref<1x50xi32, #tpu.memory_space<vmem>>
        %dma_wait3A_422 = tpu.memref_squeeze %dma_wait3A_421 : memref<1x50xi32, #tpu.memory_space<vmem>> -> memref<50xi32, #tpu.memory_space<vmem>>
        %dma_wait3A_423 = arith.constant 0 : i32
        %dma_wait3A_424 = arith.constant 0 : i32
        %dma_wait3A_425 = tpu.memref_slice %arg18[%dma_wait3A_423, %dma_wait3A_424] : memref<10240x128xf32, #tpu.memory_space<vmem_shared>> -> memref<10240x128xf32, #tpu.memory_space<vmem_shared>>
        tpu.wait_indirect_dma semaphore(%arg33 : memref<!tpu.dma_semaphore, #tpu.memory_space<semaphore_mem>>) src(%arg15 : memref<50x128xf32, #tpu.memory_space<vmem>>) dst(%dma_wait3A_425 : memref<10240x128xf32, #tpu.memory_space<vmem_shared>>)
        %add3A_426 = arith.constant 4 : i32
        %add3A_427 = arith.addi %add3A_361, %add3A_426 : i32
        %lt3A = arith.constant 200 : i32
        %lt3A_428 = arith.cmpi slt, %add3A_427, %lt3A : i32
        %convert_element_type3A_429 = arith.extui %lt3A_428 : i1 to i32
        %cond3A_430 = arith.constant 0 : i32
        %cond3A_431 = arith.cmpi ne, %convert_element_type3A_429, %cond3A_430 : i32
        scf.if %cond3A_431 {
          %add3A_432 = arith.constant 4 : i32
          %add3A_433 = arith.addi %add3A_361, %add3A_432 : i32
          %add3A_434 = arith.addi %mul3A_2, %add3A_433 : i32
          %dma_start3A_435 = arith.constant 0 : i32
          %dma_start3A_436 = arith.constant 0 : i32
          %dma_start3A_437 = tpu.memref_slice %arg2[%add3A_434, %dma_start3A_435, %dma_start3A_436] : memref<6400x2x50xi32, #tpu.memory_space<hbm>> -> memref<1x2x50xi32, #tpu.memory_space<hbm>>
          %dma_start3A_438 = tpu.memref_squeeze %dma_start3A_437 : memref<1x2x50xi32, #tpu.memory_space<hbm>> -> memref<2x50xi32, #tpu.memory_space<hbm>>
          %dma_start3A_439 = arith.constant 0 : i32
          %dma_start3A_440 = arith.constant 0 : i32
          %dma_start3A_441 = tpu.memref_slice %arg2[%add3A_434, %dma_start3A_439, %dma_start3A_440] : memref<6400x2x50xi32, #tpu.memory_space<hbm>> -> memref<1x2x50xi32, #tpu.memory_space<hbm>>
          %dma_start3A_442 = tpu.memref_squeeze %dma_start3A_441 : memref<1x2x50xi32, #tpu.memory_space<hbm>> -> memref<2x50xi32, #tpu.memory_space<hbm>>
          tpu.enqueue_dma source(%dma_start3A_442 : memref<2x50xi32, #tpu.memory_space<hbm>>) target(%arg7 : memref<2x50xi32, #tpu.memory_space<vmem>>) target_semaphore(%arg21 : memref<!tpu.dma_semaphore, #tpu.memory_space<semaphore_mem>>)
        } else {
        }
      } else {
      }
      %dma_start3A_376 = arith.constant 0 : i32
      %dma_start3A_377 = arith.constant 0 : i32
      %dma_start3A_378 = tpu.memref_slice %arg11[%dma_start3A_376, %dma_start3A_377] : memref<2x50xi32, #tpu.memory_space<vmem>> -> memref<1x50xi32, #tpu.memory_space<vmem>>
      %dma_start3A_379 = tpu.memref_squeeze %dma_start3A_378 : memref<1x50xi32, #tpu.memory_space<vmem>> -> memref<50xi32, #tpu.memory_space<vmem>>
      %dma_start3A_380 = arith.constant 0 : i32
      %dma_start3A_381 = arith.constant 0 : i32
      %dma_start3A_382 = tpu.memref_slice %arg3[%dma_start3A_380, %dma_start3A_381] : memref<10000x128xf32, #tpu.memory_space<hbm>> -> memref<10000x128xf32, #tpu.memory_space<hbm>>
      tpu.enqueue_indirect_dma source(%dma_start3A_382 : memref<10000x128xf32, #tpu.memory_space<hbm>>) target(%arg15 : memref<50x128xf32, #tpu.memory_space<vmem>>) offsets(%dma_start3A_379 : memref<50xi32, #tpu.memory_space<vmem>>) semaphore(%arg29 : memref<!tpu.dma_semaphore, #tpu.memory_space<semaphore_mem>>)
      %ge3A_383 = arith.constant 3 : i32
      %ge3A_384 = arith.cmpi sge, %add3A_361, %ge3A_383 : i32
      %convert_element_type3A_385 = arith.extui %ge3A_384 : i1 to i32
      %cond3A_386 = arith.constant 0 : i32
      %cond3A_387 = arith.cmpi ne, %convert_element_type3A_385, %cond3A_386 : i32
      scf.if %cond3A_387 {
        %dma_wait3A_419 = arith.constant 0 : i32
        %dma_wait3A_420 = arith.constant 0 : i32
        %dma_wait3A_421 = tpu.memref_slice %arg8[%dma_wait3A_419, %dma_wait3A_420] : memref<2x50xi32, #tpu.memory_space<vmem>> -> memref<1x50xi32, #tpu.memory_space<vmem>>
        %dma_wait3A_422 = tpu.memref_squeeze %dma_wait3A_421 : memref<1x50xi32, #tpu.memory_space<vmem>> -> memref<50xi32, #tpu.memory_space<vmem>>
        %dma_wait3A_423 = arith.constant 0 : i32
        %dma_wait3A_424 = arith.constant 0 : i32
        %dma_wait3A_425 = tpu.memref_slice %arg3[%dma_wait3A_423, %dma_wait3A_424] : memref<10000x128xf32, #tpu.memory_space<hbm>> -> memref<10000x128xf32, #tpu.memory_space<hbm>>
        tpu.wait_indirect_dma semaphore(%arg30 : memref<!tpu.dma_semaphore, #tpu.memory_space<semaphore_mem>>) src(%dma_wait3A_425 : memref<10000x128xf32, #tpu.memory_space<hbm>>) dst(%arg16 : memref<50x128xf32, #tpu.memory_space<vmem>>)
        %dma_start3A_426 = arith.constant 1 : i32
        %dma_start3A_427 = arith.constant 0 : i32
        %dma_start3A_428 = tpu.memref_slice %arg8[%dma_start3A_426, %dma_start3A_427] : memref<2x50xi32, #tpu.memory_space<vmem>> -> memref<1x50xi32, #tpu.memory_space<vmem>>
        %dma_start3A_429 = tpu.memref_squeeze %dma_start3A_428 : memref<1x50xi32, #tpu.memory_space<vmem>> -> memref<50xi32, #tpu.memory_space<vmem>>
        %dma_start3A_430 = arith.constant 0 : i32
        %dma_start3A_431 = arith.constant 0 : i32
        %dma_start3A_432 = tpu.memref_slice %arg18[%dma_start3A_430, %dma_start3A_431] : memref<10240x128xf32, #tpu.memory_space<vmem_shared>> -> memref<10240x128xf32, #tpu.memory_space<vmem_shared>>
        tpu.enqueue_indirect_dma source(%arg16 : memref<50x128xf32, #tpu.memory_space<vmem>>) target(%dma_start3A_432 : memref<10240x128xf32, #tpu.memory_space<vmem_shared>>) offsets(%dma_start3A_429 : memref<50xi32, #tpu.memory_space<vmem>>) semaphore(%arg34 : memref<!tpu.dma_semaphore, #tpu.memory_space<semaphore_mem>>) {add = true}
      } else {
      }
      %mul3A_388 = arith.constant 8 : i32
      %mul3A_389 = arith.muli %mul3A_388, %scan3A_179 : i32
      %add3A_390 = arith.constant 7 : i32
      %add3A_391 = arith.addi %mul3A_389, %add3A_390 : i32
      %add3A_392 = arith.addi %mul3A_2, %add3A_391 : i32
      %dma_wait3A_393 = arith.constant 0 : i32
      %dma_wait3A_394 = arith.constant 0 : i32
      %dma_wait3A_395 = tpu.memref_slice %arg2[%add3A_392, %dma_wait3A_393, %dma_wait3A_394] : memref<6400x2x50xi32, #tpu.memory_space<hbm>> -> memref<1x2x50xi32, #tpu.memory_space<hbm>>
      %dma_wait3A_396 = tpu.memref_squeeze %dma_wait3A_395 : memref<1x2x50xi32, #tpu.memory_space<hbm>> -> memref<2x50xi32, #tpu.memory_space<hbm>>
      %dma_wait3A_397 = arith.constant 0 : i32
      %dma_wait3A_398 = arith.constant 0 : i32
      %dma_wait3A_399 = tpu.memref_slice %arg2[%add3A_392, %dma_wait3A_397, %dma_wait3A_398] : memref<6400x2x50xi32, #tpu.memory_space<hbm>> -> memref<1x2x50xi32, #tpu.memory_space<hbm>>
      %dma_wait3A_400 = tpu.memref_squeeze %dma_wait3A_399 : memref<1x2x50xi32, #tpu.memory_space<hbm>> -> memref<2x50xi32, #tpu.memory_space<hbm>>
      tpu.wait_dma2 semaphore(%arg26 : memref<!tpu.dma_semaphore, #tpu.memory_space<semaphore_mem>>) src(%dma_wait3A_400 : memref<2x50xi32, #tpu.memory_space<hbm>>) dst(%arg12 : memref<2x50xi32, #tpu.memory_space<vmem>>)
      %ge3A_401 = arith.constant 4 : i32
      %ge3A_402 = arith.cmpi sge, %add3A_391, %ge3A_401 : i32
      %convert_element_type3A_403 = arith.extui %ge3A_402 : i1 to i32
      %cond3A_404 = arith.constant 0 : i32
      %cond3A_405 = arith.cmpi ne, %convert_element_type3A_403, %cond3A_404 : i32
      scf.if %cond3A_405 {
        %dma_wait3A_419 = arith.constant 1 : i32
        %dma_wait3A_420 = arith.constant 0 : i32
        %dma_wait3A_421 = tpu.memref_slice %arg8[%dma_wait3A_419, %dma_wait3A_420] : memref<2x50xi32, #tpu.memory_space<vmem>> -> memref<1x50xi32, #tpu.memory_space<vmem>>
        %dma_wait3A_422 = tpu.memref_squeeze %dma_wait3A_421 : memref<1x50xi32, #tpu.memory_space<vmem>> -> memref<50xi32, #tpu.memory_space<vmem>>
        %dma_wait3A_423 = arith.constant 0 : i32
        %dma_wait3A_424 = arith.constant 0 : i32
        %dma_wait3A_425 = tpu.memref_slice %arg18[%dma_wait3A_423, %dma_wait3A_424] : memref<10240x128xf32, #tpu.memory_space<vmem_shared>> -> memref<10240x128xf32, #tpu.memory_space<vmem_shared>>
        tpu.wait_indirect_dma semaphore(%arg34 : memref<!tpu.dma_semaphore, #tpu.memory_space<semaphore_mem>>) src(%arg16 : memref<50x128xf32, #tpu.memory_space<vmem>>) dst(%dma_wait3A_425 : memref<10240x128xf32, #tpu.memory_space<vmem_shared>>)
        %add3A_426 = arith.constant 4 : i32
        %add3A_427 = arith.addi %add3A_391, %add3A_426 : i32
        %lt3A = arith.constant 200 : i32
        %lt3A_428 = arith.cmpi slt, %add3A_427, %lt3A : i32
        %convert_element_type3A_429 = arith.extui %lt3A_428 : i1 to i32
        %cond3A_430 = arith.constant 0 : i32
        %cond3A_431 = arith.cmpi ne, %convert_element_type3A_429, %cond3A_430 : i32
        scf.if %cond3A_431 {
          %add3A_432 = arith.constant 4 : i32
          %add3A_433 = arith.addi %add3A_391, %add3A_432 : i32
          %add3A_434 = arith.addi %mul3A_2, %add3A_433 : i32
          %dma_start3A_435 = arith.constant 0 : i32
          %dma_start3A_436 = arith.constant 0 : i32
          %dma_start3A_437 = tpu.memref_slice %arg2[%add3A_434, %dma_start3A_435, %dma_start3A_436] : memref<6400x2x50xi32, #tpu.memory_space<hbm>> -> memref<1x2x50xi32, #tpu.memory_space<hbm>>
          %dma_start3A_438 = tpu.memref_squeeze %dma_start3A_437 : memref<1x2x50xi32, #tpu.memory_space<hbm>> -> memref<2x50xi32, #tpu.memory_space<hbm>>
          %dma_start3A_439 = arith.constant 0 : i32
          %dma_start3A_440 = arith.constant 0 : i32
          %dma_start3A_441 = tpu.memref_slice %arg2[%add3A_434, %dma_start3A_439, %dma_start3A_440] : memref<6400x2x50xi32, #tpu.memory_space<hbm>> -> memref<1x2x50xi32, #tpu.memory_space<hbm>>
          %dma_start3A_442 = tpu.memref_squeeze %dma_start3A_441 : memref<1x2x50xi32, #tpu.memory_space<hbm>> -> memref<2x50xi32, #tpu.memory_space<hbm>>
          tpu.enqueue_dma source(%dma_start3A_442 : memref<2x50xi32, #tpu.memory_space<hbm>>) target(%arg8 : memref<2x50xi32, #tpu.memory_space<vmem>>) target_semaphore(%arg22 : memref<!tpu.dma_semaphore, #tpu.memory_space<semaphore_mem>>)
        } else {
        }
      } else {
      }
      %dma_start3A_406 = arith.constant 0 : i32
      %dma_start3A_407 = arith.constant 0 : i32
      %dma_start3A_408 = tpu.memref_slice %arg12[%dma_start3A_406, %dma_start3A_407] : memref<2x50xi32, #tpu.memory_space<vmem>> -> memref<1x50xi32, #tpu.memory_space<vmem>>
      %dma_start3A_409 = tpu.memref_squeeze %dma_start3A_408 : memref<1x50xi32, #tpu.memory_space<vmem>> -> memref<50xi32, #tpu.memory_space<vmem>>
      %dma_start3A_410 = arith.constant 0 : i32
      %dma_start3A_411 = arith.constant 0 : i32
      %dma_start3A_412 = tpu.memref_slice %arg3[%dma_start3A_410, %dma_start3A_411] : memref<10000x128xf32, #tpu.memory_space<hbm>> -> memref<10000x128xf32, #tpu.memory_space<hbm>>
      tpu.enqueue_indirect_dma source(%dma_start3A_412 : memref<10000x128xf32, #tpu.memory_space<hbm>>) target(%arg16 : memref<50x128xf32, #tpu.memory_space<vmem>>) offsets(%dma_start3A_409 : memref<50xi32, #tpu.memory_space<vmem>>) semaphore(%arg30 : memref<!tpu.dma_semaphore, #tpu.memory_space<semaphore_mem>>)
      %ge3A_413 = arith.constant 3 : i32
      %ge3A_414 = arith.cmpi sge, %add3A_391, %ge3A_413 : i32
      %convert_element_type3A_415 = arith.extui %ge3A_414 : i1 to i32
      %cond3A_416 = arith.constant 0 : i32
      %cond3A_417 = arith.cmpi ne, %convert_element_type3A_415, %cond3A_416 : i32
      scf.if %cond3A_417 {
        %dma_wait3A_419 = arith.constant 0 : i32
        %dma_wait3A_420 = arith.constant 0 : i32
        %dma_wait3A_421 = tpu.memref_slice %arg9[%dma_wait3A_419, %dma_wait3A_420] : memref<2x50xi32, #tpu.memory_space<vmem>> -> memref<1x50xi32, #tpu.memory_space<vmem>>
        %dma_wait3A_422 = tpu.memref_squeeze %dma_wait3A_421 : memref<1x50xi32, #tpu.memory_space<vmem>> -> memref<50xi32, #tpu.memory_space<vmem>>
        %dma_wait3A_423 = arith.constant 0 : i32
        %dma_wait3A_424 = arith.constant 0 : i32
        %dma_wait3A_425 = tpu.memref_slice %arg3[%dma_wait3A_423, %dma_wait3A_424] : memref<10000x128xf32, #tpu.memory_space<hbm>> -> memref<10000x128xf32, #tpu.memory_space<hbm>>
        tpu.wait_indirect_dma semaphore(%arg27 : memref<!tpu.dma_semaphore, #tpu.memory_space<semaphore_mem>>) src(%dma_wait3A_425 : memref<10000x128xf32, #tpu.memory_space<hbm>>) dst(%arg13 : memref<50x128xf32, #tpu.memory_space<vmem>>)
        %dma_start3A_426 = arith.constant 1 : i32
        %dma_start3A_427 = arith.constant 0 : i32
        %dma_start3A_428 = tpu.memref_slice %arg9[%dma_start3A_426, %dma_start3A_427] : memref<2x50xi32, #tpu.memory_space<vmem>> -> memref<1x50xi32, #tpu.memory_space<vmem>>
        %dma_start3A_429 = tpu.memref_squeeze %dma_start3A_428 : memref<1x50xi32, #tpu.memory_space<vmem>> -> memref<50xi32, #tpu.memory_space<vmem>>
        %dma_start3A_430 = arith.constant 0 : i32
        %dma_start3A_431 = arith.constant 0 : i32
        %dma_start3A_432 = tpu.memref_slice %arg18[%dma_start3A_430, %dma_start3A_431] : memref<10240x128xf32, #tpu.memory_space<vmem_shared>> -> memref<10240x128xf32, #tpu.memory_space<vmem_shared>>
        tpu.enqueue_indirect_dma source(%arg13 : memref<50x128xf32, #tpu.memory_space<vmem>>) target(%dma_start3A_432 : memref<10240x128xf32, #tpu.memory_space<vmem_shared>>) offsets(%dma_start3A_429 : memref<50xi32, #tpu.memory_space<vmem>>) semaphore(%arg31 : memref<!tpu.dma_semaphore, #tpu.memory_space<semaphore_mem>>) {add = true}
      } else {
      }
      %scan3A_418 = arith.constant 0 : i32
      scf.yield %scan3A_418 : i32
    }
    %scan3A_101 = arith.constant 25 : i32
    %dma_wait3A = arith.constant 0 : i32
    %dma_wait3A_102 = arith.constant 0 : i32
    %dma_wait3A_103 = tpu.memref_slice %arg10[%dma_wait3A, %dma_wait3A_102] : memref<2x50xi32, #tpu.memory_space<vmem>> -> memref<1x50xi32, #tpu.memory_space<vmem>>
    %dma_wait3A_104 = tpu.memref_squeeze %dma_wait3A_103 : memref<1x50xi32, #tpu.memory_space<vmem>> -> memref<50xi32, #tpu.memory_space<vmem>>
    %dma_wait3A_105 = arith.constant 0 : i32
    %dma_wait3A_106 = arith.constant 0 : i32
    %dma_wait3A_107 = tpu.memref_slice %arg3[%dma_wait3A_105, %dma_wait3A_106] : memref<10000x128xf32, #tpu.memory_space<hbm>> -> memref<10000x128xf32, #tpu.memory_space<hbm>>
    tpu.wait_indirect_dma semaphore(%arg28 : memref<!tpu.dma_semaphore, #tpu.memory_space<semaphore_mem>>) src(%dma_wait3A_107 : memref<10000x128xf32, #tpu.memory_space<hbm>>) dst(%arg14 : memref<50x128xf32, #tpu.memory_space<vmem>>)
    %dma_start3A_108 = arith.constant 1 : i32
    %dma_start3A_109 = arith.constant 0 : i32
    %dma_start3A_110 = tpu.memref_slice %arg10[%dma_start3A_108, %dma_start3A_109] : memref<2x50xi32, #tpu.memory_space<vmem>> -> memref<1x50xi32, #tpu.memory_space<vmem>>
    %dma_start3A_111 = tpu.memref_squeeze %dma_start3A_110 : memref<1x50xi32, #tpu.memory_space<vmem>> -> memref<50xi32, #tpu.memory_space<vmem>>
    %dma_start3A_112 = arith.constant 0 : i32
    %dma_start3A_113 = arith.constant 0 : i32
    %dma_start3A_114 = tpu.memref_slice %arg18[%dma_start3A_112, %dma_start3A_113] : memref<10240x128xf32, #tpu.memory_space<vmem_shared>> -> memref<10240x128xf32, #tpu.memory_space<vmem_shared>>
    tpu.enqueue_indirect_dma source(%arg14 : memref<50x128xf32, #tpu.memory_space<vmem>>) target(%dma_start3A_114 : memref<10240x128xf32, #tpu.memory_space<vmem_shared>>) offsets(%dma_start3A_111 : memref<50xi32, #tpu.memory_space<vmem>>) semaphore(%arg32 : memref<!tpu.dma_semaphore, #tpu.memory_space<semaphore_mem>>) {add = true}
    %dma_wait3A_115 = arith.constant 0 : i32
    %dma_wait3A_116 = arith.constant 0 : i32
    %dma_wait3A_117 = tpu.memref_slice %arg11[%dma_wait3A_115, %dma_wait3A_116] : memref<2x50xi32, #tpu.memory_space<vmem>> -> memref<1x50xi32, #tpu.memory_space<vmem>>
    %dma_wait3A_118 = tpu.memref_squeeze %dma_wait3A_117 : memref<1x50xi32, #tpu.memory_space<vmem>> -> memref<50xi32, #tpu.memory_space<vmem>>
    %dma_wait3A_119 = arith.constant 0 : i32
    %dma_wait3A_120 = arith.constant 0 : i32
    %dma_wait3A_121 = tpu.memref_slice %arg3[%dma_wait3A_119, %dma_wait3A_120] : memref<10000x128xf32, #tpu.memory_space<hbm>> -> memref<10000x128xf32, #tpu.memory_space<hbm>>
    tpu.wait_indirect_dma semaphore(%arg29 : memref<!tpu.dma_semaphore, #tpu.memory_space<semaphore_mem>>) src(%dma_wait3A_121 : memref<10000x128xf32, #tpu.memory_space<hbm>>) dst(%arg15 : memref<50x128xf32, #tpu.memory_space<vmem>>)
    %dma_start3A_122 = arith.constant 1 : i32
    %dma_start3A_123 = arith.constant 0 : i32
    %dma_start3A_124 = tpu.memref_slice %arg11[%dma_start3A_122, %dma_start3A_123] : memref<2x50xi32, #tpu.memory_space<vmem>> -> memref<1x50xi32, #tpu.memory_space<vmem>>
    %dma_start3A_125 = tpu.memref_squeeze %dma_start3A_124 : memref<1x50xi32, #tpu.memory_space<vmem>> -> memref<50xi32, #tpu.memory_space<vmem>>
    %dma_start3A_126 = arith.constant 0 : i32
    %dma_start3A_127 = arith.constant 0 : i32
    %dma_start3A_128 = tpu.memref_slice %arg18[%dma_start3A_126, %dma_start3A_127] : memref<10240x128xf32, #tpu.memory_space<vmem_shared>> -> memref<10240x128xf32, #tpu.memory_space<vmem_shared>>
    tpu.enqueue_indirect_dma source(%arg15 : memref<50x128xf32, #tpu.memory_space<vmem>>) target(%dma_start3A_128 : memref<10240x128xf32, #tpu.memory_space<vmem_shared>>) offsets(%dma_start3A_125 : memref<50xi32, #tpu.memory_space<vmem>>) semaphore(%arg33 : memref<!tpu.dma_semaphore, #tpu.memory_space<semaphore_mem>>) {add = true}
    %dma_wait3A_129 = arith.constant 0 : i32
    %dma_wait3A_130 = arith.constant 0 : i32
    %dma_wait3A_131 = tpu.memref_slice %arg12[%dma_wait3A_129, %dma_wait3A_130] : memref<2x50xi32, #tpu.memory_space<vmem>> -> memref<1x50xi32, #tpu.memory_space<vmem>>
    %dma_wait3A_132 = tpu.memref_squeeze %dma_wait3A_131 : memref<1x50xi32, #tpu.memory_space<vmem>> -> memref<50xi32, #tpu.memory_space<vmem>>
    %dma_wait3A_133 = arith.constant 0 : i32
    %dma_wait3A_134 = arith.constant 0 : i32
    %dma_wait3A_135 = tpu.memref_slice %arg3[%dma_wait3A_133, %dma_wait3A_134] : memref<10000x128xf32, #tpu.memory_space<hbm>> -> memref<10000x128xf32, #tpu.memory_space<hbm>>
    tpu.wait_indirect_dma semaphore(%arg30 : memref<!tpu.dma_semaphore, #tpu.memory_space<semaphore_mem>>) src(%dma_wait3A_135 : memref<10000x128xf32, #tpu.memory_space<hbm>>) dst(%arg16 : memref<50x128xf32, #tpu.memory_space<vmem>>)
    %dma_start3A_136 = arith.constant 1 : i32
    %dma_start3A_137 = arith.constant 0 : i32
    %dma_start3A_138 = tpu.memref_slice %arg12[%dma_start3A_136, %dma_start3A_137] : memref<2x50xi32, #tpu.memory_space<vmem>> -> memref<1x50xi32, #tpu.memory_space<vmem>>
    %dma_start3A_139 = tpu.memref_squeeze %dma_start3A_138 : memref<1x50xi32, #tpu.memory_space<vmem>> -> memref<50xi32, #tpu.memory_space<vmem>>
    %dma_start3A_140 = arith.constant 0 : i32
    %dma_start3A_141 = arith.constant 0 : i32
    %dma_start3A_142 = tpu.memref_slice %arg18[%dma_start3A_140, %dma_start3A_141] : memref<10240x128xf32, #tpu.memory_space<vmem_shared>> -> memref<10240x128xf32, #tpu.memory_space<vmem_shared>>
    tpu.enqueue_indirect_dma source(%arg16 : memref<50x128xf32, #tpu.memory_space<vmem>>) target(%dma_start3A_142 : memref<10240x128xf32, #tpu.memory_space<vmem_shared>>) offsets(%dma_start3A_139 : memref<50xi32, #tpu.memory_space<vmem>>) semaphore(%arg34 : memref<!tpu.dma_semaphore, #tpu.memory_space<semaphore_mem>>) {add = true}
    %dma_wait3A_143 = arith.constant 1 : i32
    %dma_wait3A_144 = arith.constant 0 : i32
    %dma_wait3A_145 = tpu.memref_slice %arg9[%dma_wait3A_143, %dma_wait3A_144] : memref<2x50xi32, #tpu.memory_space<vmem>> -> memref<1x50xi32, #tpu.memory_space<vmem>>
    %dma_wait3A_146 = tpu.memref_squeeze %dma_wait3A_145 : memref<1x50xi32, #tpu.memory_space<vmem>> -> memref<50xi32, #tpu.memory_space<vmem>>
    %dma_wait3A_147 = arith.constant 0 : i32
    %dma_wait3A_148 = arith.constant 0 : i32
    %dma_wait3A_149 = tpu.memref_slice %arg18[%dma_wait3A_147, %dma_wait3A_148] : memref<10240x128xf32, #tpu.memory_space<vmem_shared>> -> memref<10240x128xf32, #tpu.memory_space<vmem_shared>>
    tpu.wait_indirect_dma semaphore(%arg31 : memref<!tpu.dma_semaphore, #tpu.memory_space<semaphore_mem>>) src(%arg13 : memref<50x128xf32, #tpu.memory_space<vmem>>) dst(%dma_wait3A_149 : memref<10240x128xf32, #tpu.memory_space<vmem_shared>>)
    %dma_wait3A_150 = arith.constant 1 : i32
    %dma_wait3A_151 = arith.constant 0 : i32
    %dma_wait3A_152 = tpu.memref_slice %arg10[%dma_wait3A_150, %dma_wait3A_151] : memref<2x50xi32, #tpu.memory_space<vmem>> -> memref<1x50xi32, #tpu.memory_space<vmem>>
    %dma_wait3A_153 = tpu.memref_squeeze %dma_wait3A_152 : memref<1x50xi32, #tpu.memory_space<vmem>> -> memref<50xi32, #tpu.memory_space<vmem>>
    %dma_wait3A_154 = arith.constant 0 : i32
    %dma_wait3A_155 = arith.constant 0 : i32
    %dma_wait3A_156 = tpu.memref_slice %arg18[%dma_wait3A_154, %dma_wait3A_155] : memref<10240x128xf32, #tpu.memory_space<vmem_shared>> -> memref<10240x128xf32, #tpu.memory_space<vmem_shared>>
    tpu.wait_indirect_dma semaphore(%arg32 : memref<!tpu.dma_semaphore, #tpu.memory_space<semaphore_mem>>) src(%arg14 : memref<50x128xf32, #tpu.memory_space<vmem>>) dst(%dma_wait3A_156 : memref<10240x128xf32, #tpu.memory_space<vmem_shared>>)
    %dma_wait3A_157 = arith.constant 1 : i32
    %dma_wait3A_158 = arith.constant 0 : i32
    %dma_wait3A_159 = tpu.memref_slice %arg11[%dma_wait3A_157, %dma_wait3A_158] : memref<2x50xi32, #tpu.memory_space<vmem>> -> memref<1x50xi32, #tpu.memory_space<vmem>>
    %dma_wait3A_160 = tpu.memref_squeeze %dma_wait3A_159 : memref<1x50xi32, #tpu.memory_space<vmem>> -> memref<50xi32, #tpu.memory_space<vmem>>
    %dma_wait3A_161 = arith.constant 0 : i32
    %dma_wait3A_162 = arith.constant 0 : i32
    %dma_wait3A_163 = tpu.memref_slice %arg18[%dma_wait3A_161, %dma_wait3A_162] : memref<10240x128xf32, #tpu.memory_space<vmem_shared>> -> memref<10240x128xf32, #tpu.memory_space<vmem_shared>>
    tpu.wait_indirect_dma semaphore(%arg33 : memref<!tpu.dma_semaphore, #tpu.memory_space<semaphore_mem>>) src(%arg15 : memref<50x128xf32, #tpu.memory_space<vmem>>) dst(%dma_wait3A_163 : memref<10240x128xf32, #tpu.memory_space<vmem_shared>>)
    %dma_wait3A_164 = arith.constant 1 : i32
    %dma_wait3A_165 = arith.constant 0 : i32
    %dma_wait3A_166 = tpu.memref_slice %arg12[%dma_wait3A_164, %dma_wait3A_165] : memref<2x50xi32, #tpu.memory_space<vmem>> -> memref<1x50xi32, #tpu.memory_space<vmem>>
    %dma_wait3A_167 = tpu.memref_squeeze %dma_wait3A_166 : memref<1x50xi32, #tpu.memory_space<vmem>> -> memref<50xi32, #tpu.memory_space<vmem>>
    %dma_wait3A_168 = arith.constant 0 : i32
    %dma_wait3A_169 = arith.constant 0 : i32
    %dma_wait3A_170 = tpu.memref_slice %arg18[%dma_wait3A_168, %dma_wait3A_169] : memref<10240x128xf32, #tpu.memory_space<vmem_shared>> -> memref<10240x128xf32, #tpu.memory_space<vmem_shared>>
    tpu.wait_indirect_dma semaphore(%arg34 : memref<!tpu.dma_semaphore, #tpu.memory_space<semaphore_mem>>) src(%arg16 : memref<50x128xf32, #tpu.memory_space<vmem>>) dst(%dma_wait3A_170 : memref<10240x128xf32, #tpu.memory_space<vmem_shared>>)
    %barrier3A_171 = arith.constant 0 : index
    tpu.barrier barrier_id(%barrier3A_171)
    %scan3A_172 = arith.constant 0 : i32
    %scan3A_173 = arith.constant 0 : i32
    %scan3A_174 = arith.constant 40 : i32
    %scan3A_175 = arith.addi %scan3A_173, %scan3A_174 : i32
    %scan3A_176 = arith.constant 1 : i32
    %scan3A_177 = scf.for %scan3A_179 = %scan3A_173 to %scan3A_175 step %scan3A_176 iter_args(%scan3A_180 = %scan3A_172) -> (i32)  : i32 {
      %mul3A_181 = arith.constant 640 : i32
      %mul3A_182 = arith.muli %arg1, %mul3A_181 : i32
      %mul3A_183 = arith.constant 16 : i32
      %mul3A_184 = arith.muli %scan3A_179, %mul3A_183 : i32
      %add3A_185 = arith.addi %mul3A_182, %mul3A_184 : i32
      %mul3A_186 = arith.constant 10240 : i32
      %mul3A_187 = arith.muli %arg0, %mul3A_186 : i32
      %add3A_188 = arith.addi %mul3A_187, %add3A_185 : i32
      "tpu.region"() ({
        %run_scoped3A = tpu.sem_alloc : memref<!tpu.dma_semaphore, #tpu.memory_space<semaphore_mem>>
        %dma_start3A_190 = arith.constant 0 : i32
        %dma_start3A_191 = tpu.memref_slice %arg4[%add3A_188, %dma_start3A_190] : memref<20480x128xf32, #tpu.memory_space<hbm>> -> memref<16x128xf32, #tpu.memory_space<hbm>>
        %dma_start3A_192 = arith.constant 0 : i32
        %dma_start3A_193 = tpu.memref_slice %arg18[%add3A_185, %dma_start3A_192] : memref<10240x128xf32, #tpu.memory_space<vmem_shared>> -> memref<16x128xf32, #tpu.memory_space<vmem_shared>>
        tpu.enqueue_dma source(%dma_start3A_193 : memref<16x128xf32, #tpu.memory_space<vmem_shared>>) target(%dma_start3A_191 : memref<16x128xf32, #tpu.memory_space<hbm>>) target_semaphore(%run_scoped3A : memref<!tpu.dma_semaphore, #tpu.memory_space<semaphore_mem>>)
        %dma_wait3A_194 = arith.constant 0 : i32
        %dma_wait3A_195 = tpu.memref_slice %arg4[%add3A_188, %dma_wait3A_194] : memref<20480x128xf32, #tpu.memory_space<hbm>> -> memref<16x128xf32, #tpu.memory_space<hbm>>
        %dma_wait3A_196 = arith.constant 0 : i32
        %dma_wait3A_197 = tpu.memref_slice %arg18[%add3A_185, %dma_wait3A_196] : memref<10240x128xf32, #tpu.memory_space<vmem_shared>> -> memref<16x128xf32, #tpu.memory_space<vmem_shared>>
        tpu.wait_dma2 semaphore(%run_scoped3A : memref<!tpu.dma_semaphore, #tpu.memory_space<semaphore_mem>>) src(%dma_wait3A_197 : memref<16x128xf32, #tpu.memory_space<vmem_shared>>) dst(%dma_wait3A_195 : memref<16x128xf32, #tpu.memory_space<hbm>>)
        tpu.yield
      }) : () -> ()
      %scan3A_189 = arith.constant 0 : i32
      scf.yield %scan3A_189 : i32
    }
    %scan3A_178 = arith.constant 40 : i32
    return
  }
}

module attributes {stable_mosaic.version = 14 : i64} {
  func.func @_mlp_tc(%arg0: memref<20480x128xf32, #tpu.memory_space<vmem>>, %arg1: memref<10000x128xf32, #tpu.memory_space<vmem>>, %arg2: memref<128x64xf32, #tpu.memory_space<vmem>>, %arg3: memref<1x64xf32, #tpu.memory_space<vmem>>, %arg4: memref<1x64xf32, #tpu.memory_space<vmem>>, %arg5: memref<1x64xf32, #tpu.memory_space<vmem>>, %arg6: memref<64x128xf32, #tpu.memory_space<vmem>>, %arg7: memref<1x128xf32, #tpu.memory_space<vmem>>, %arg8: memref<1x1xf32, #tpu.memory_space<vmem>>, %arg9: memref<10000x128xf32, #tpu.memory_space<vmem>>) attributes {dimension_semantics = [], scalar_prefetch = 0 : i64, scratch_operands = 0 : i64, tpu.core_type = #tpu.core_type<tc>} {
    %get3A = arith.constant 0 : index
    %get3A_0 = arith.constant 0 : index
    %get3A_1 = vector.load %arg0[%get3A, %get3A_0] : memref<20480x128xf32, #tpu.memory_space<vmem>>, vector<10000x128xf32>
    %get3A_2 = arith.constant 10240 : index
    %get3A_3 = arith.constant 0 : index
    %get3A_4 = vector.load %arg0[%get3A_2, %get3A_3] : memref<20480x128xf32, #tpu.memory_space<vmem>>, vector<10000x128xf32>
    %add3A = arith.addf %get3A_1, %get3A_4 : vector<10000x128xf32>
    %get3A_5 = arith.constant 0 : index
    %get3A_6 = arith.constant 0 : index
    %get3A_7 = vector.load %arg8[%get3A_5, %get3A_6] : memref<1x1xf32, #tpu.memory_space<vmem>>, vector<1x1xf32>
    %get3A_8 = vector.extract %get3A_7[0, 0] : f32 from vector<1x1xf32>
    %get3A_9 = arith.constant 0 : index
    %get3A_10 = arith.constant 0 : index
    %get3A_11 = vector.load %arg1[%get3A_9, %get3A_10] : memref<10000x128xf32, #tpu.memory_space<vmem>>, vector<10000x128xf32>
    %mul3A = vector.broadcast %get3A_8 : f32 to vector<10000x128xf32>
    %mul3A_12 = arith.mulf %mul3A, %get3A_11 : vector<10000x128xf32>
    %add3A_13 = arith.addf %add3A, %mul3A_12 : vector<10000x128xf32>
    %get3A_14 = arith.constant 0 : index
    %get3A_15 = arith.constant 0 : index
    %get3A_16 = vector.load %arg2[%get3A_14, %get3A_15] : memref<128x64xf32, #tpu.memory_space<vmem>>, vector<128x64xf32>
    %dot_general3A = arith.constant dense<0.000000e+00> : vector<10000x64xf32>
    %dot_general3A_17 = tpu.matmul %add3A_13, %get3A_16, %dot_general3A {dimension_numbers = #tpu.dot_dimension_numbers<[1], [0], [0], [1], [0, 0, 1, 1], [], []>, transpose_lhs_hint = false} : vector<10000x128xf32>, vector<128x64xf32>, vector<10000x64xf32> -> vector<10000x64xf32>
    %get3A_18 = arith.constant 0 : index
    %get3A_19 = arith.constant 0 : index
    %get3A_20 = vector.load %arg3[%get3A_18, %get3A_19] : memref<1x64xf32, #tpu.memory_space<vmem>>, vector<1x64xf32>
    %add3A_21 = vector.broadcast %get3A_20 : vector<1x64xf32> to vector<10000x64xf32>
    %add3A_22 = arith.addf %dot_general3A_17, %add3A_21 : vector<10000x64xf32>
    %reduce_sum3A = arith.constant dense<0.000000e+00> : vector<64xf32>
    %reduce_sum3A_23 = vector.multi_reduction <add>, %add3A_22, %reduce_sum3A [0] : vector<10000x64xf32> to vector<64xf32>
    %broadcast_in_dim3A = vector.shape_cast %reduce_sum3A_23 : vector<64xf32> to vector<1x64xf32>
    %div3A = arith.constant 1.000000e+04 : f32
    %div3A_24 = vector.broadcast %div3A : f32 to vector<1x64xf32>
    %div3A_25 = arith.divf %broadcast_in_dim3A, %div3A_24 : vector<1x64xf32>
    %sub3A = vector.broadcast %div3A_25 : vector<1x64xf32> to vector<10000x64xf32>
    %sub3A_26 = arith.subf %add3A_22, %sub3A : vector<10000x64xf32>
    %sub3A_27 = vector.broadcast %div3A_25 : vector<1x64xf32> to vector<10000x64xf32>
    %sub3A_28 = arith.subf %add3A_22, %sub3A_27 : vector<10000x64xf32>
    %mul3A_29 = arith.mulf %sub3A_26, %sub3A_28 : vector<10000x64xf32>
    %reduce_sum3A_30 = arith.constant dense<0.000000e+00> : vector<64xf32>
    %reduce_sum3A_31 = vector.multi_reduction <add>, %mul3A_29, %reduce_sum3A_30 [0] : vector<10000x64xf32> to vector<64xf32>
    %broadcast_in_dim3A_32 = vector.shape_cast %reduce_sum3A_31 : vector<64xf32> to vector<1x64xf32>
    %div3A_33 = arith.constant 1.000000e+04 : f32
    %div3A_34 = vector.broadcast %div3A_33 : f32 to vector<1x64xf32>
    %div3A_35 = arith.divf %broadcast_in_dim3A_32, %div3A_34 : vector<1x64xf32>
    %sub3A_36 = vector.broadcast %div3A_25 : vector<1x64xf32> to vector<10000x64xf32>
    %sub3A_37 = arith.subf %add3A_22, %sub3A_36 : vector<10000x64xf32>
    %add3A_38 = arith.constant 9.99999974E-6 : f32
    %add3A_39 = vector.broadcast %add3A_38 : f32 to vector<1x64xf32>
    %add3A_40 = arith.addf %div3A_35, %add3A_39 : vector<1x64xf32>
    %rsqrt3A = math.rsqrt %add3A_40 : vector<1x64xf32>
    %mul3A_41 = vector.broadcast %rsqrt3A : vector<1x64xf32> to vector<10000x64xf32>
    %mul3A_42 = arith.mulf %sub3A_37, %mul3A_41 : vector<10000x64xf32>
    %get3A_43 = arith.constant 0 : index
    %get3A_44 = arith.constant 0 : index
    %get3A_45 = vector.load %arg4[%get3A_43, %get3A_44] : memref<1x64xf32, #tpu.memory_space<vmem>>, vector<1x64xf32>
    %mul3A_46 = vector.broadcast %get3A_45 : vector<1x64xf32> to vector<10000x64xf32>
    %mul3A_47 = arith.mulf %mul3A_42, %mul3A_46 : vector<10000x64xf32>
    %get3A_48 = arith.constant 0 : index
    %get3A_49 = arith.constant 0 : index
    %get3A_50 = vector.load %arg5[%get3A_48, %get3A_49] : memref<1x64xf32, #tpu.memory_space<vmem>>, vector<1x64xf32>
    %add3A_51 = vector.broadcast %get3A_50 : vector<1x64xf32> to vector<10000x64xf32>
    %add3A_52 = arith.addf %mul3A_47, %add3A_51 : vector<10000x64xf32>
    %max3A = arith.constant 0.000000e+00 : f32
    %max3A_53 = vector.broadcast %max3A : f32 to vector<10000x64xf32>
    %max3A_54 = arith.maximumf %add3A_52, %max3A_53 : vector<10000x64xf32>
    %get3A_55 = arith.constant 0 : index
    %get3A_56 = arith.constant 0 : index
    %get3A_57 = vector.load %arg6[%get3A_55, %get3A_56] : memref<64x128xf32, #tpu.memory_space<vmem>>, vector<64x128xf32>
    %dot_general3A_58 = arith.constant dense<0.000000e+00> : vector<10000x128xf32>
    %dot_general3A_59 = tpu.matmul %max3A_54, %get3A_57, %dot_general3A_58 {dimension_numbers = #tpu.dot_dimension_numbers<[1], [0], [0], [1], [0, 0, 1, 1], [], []>, transpose_lhs_hint = false} : vector<10000x64xf32>, vector<64x128xf32>, vector<10000x128xf32> -> vector<10000x128xf32>
    %get3A_60 = arith.constant 0 : index
    %get3A_61 = arith.constant 0 : index
    %get3A_62 = vector.load %arg7[%get3A_60, %get3A_61] : memref<1x128xf32, #tpu.memory_space<vmem>>, vector<1x128xf32>
    %add3A_63 = vector.broadcast %get3A_62 : vector<1x128xf32> to vector<10000x128xf32>
    %add3A_64 = arith.addf %dot_general3A_59, %add3A_63 : vector<10000x128xf32>
    %swap3A = arith.constant 0 : index
    %swap3A_65 = arith.constant 0 : index
    %swap3A_66 = vector.load %arg9[%swap3A, %swap3A_65] : memref<10000x128xf32, #tpu.memory_space<vmem>>, vector<10000x128xf32>
    tpu.vector_store %arg9[%swap3A, %swap3A_65], %add3A_64 {strides = array<i32>} : memref<10000x128xf32, #tpu.memory_space<vmem>>, vector<10000x128xf32>,
    return
  }
}

</mosaic_0001>

<sc_bundles>
// kernel: kernel.4.cloned.1.call-start
scs
__scs_entry_jumppad:
0x0: {  	(pc) =	sbr.rel $0x88, $3  }
0x1: {  	(tag) =	ssettag $0x0;
	lr =	simm.s32 $0x1  }
0x2: {  	[smem:$0x3F98] =	sst lr;
	_ =	strace $0xD0000000  }
0x3: {  	_ = 	snop  }
0x4: {  	_ = 	snop  }
0x5: {  	_ = 	snop  }
0x6: {  	_ = 	snop  }
0x7: {  	_ = 	snop  }
__scs_overlays_trampoline_lowered:
0x8: {  	[smem:$0x3FA7] =	sst s0  }
0x9: {  	[smem:$0x3FA8] =	sst s1  }
0xa: {  	[smem:$0x3FA9] =	sst s2  }
0xb: {  	[smem:$0x3FAA] =	sst s3  }
0xc: {  	[smem:$0x3FAB] =	sst s4  }
0xd: {  	[smem:$0x3FAC] =	sst s5  }
0xe: {  	[smem:$0x3FAD] =	sst s6  }
0xf: {  	[smem:$0x3FAE] =	sst s7  }
0x10: {  	[smem:$0x3FAF] =	sst s8  }
0x11: {  	[smem:$0x3FB0] =	sst s9;
	s0 =	simm.s32 @!p0 $0x0  }
0x12: {  	s1 =	sld [smem:$0x3F96];
	s0 =	simm.s32 @p0 $0x1  }
0x13: {  	[smem:$0x3FB1] =	sst s0;
	s0 =	simm.s32 @!p1 $0x0  }
0x14: {  	s2 =	sld [smem:$0x3F95];
	s0 =	simm.s32 @p1 $0x1  }
0x15: {  	[smem:$0x3FB2] =	sst s0;
	s0 =	simm.s32 @!p2 $0x0  }
0x16: {  	s3 =	sld [smem:$0x3FDB];
	s0 =	simm.s32 @p2 $0x1  }
0x17: {  	s4 =	simm.s32 $0x1BF5;
	[smem:$0x3FB4] =	sst s0  }
0x18: {  	s0 =	sld [smem:$0x3F97];
	_ =	swait.ge [sflag:s4], $0x0  }
0x19: {  	s7 =	sld [smem:$0x3F98]  }
0x1a: {  	s8 =	sadd.s32 $0xFFFFE003, lr  }
0x1b: {  	s9 =	sadd.s32 $0xFFFFFEF7, lr;
	s5 =	simm.s32 $0xFFFFFFFF;
	p2 =	slt.u32 s8, $0xFFFFF086  }
0x1c: {  	p1 =	slt.u32 s9, $0xF7A;
	s5 =	simm.s32 @!p2 $0x0  }
0x1d: {  	s5 =	simm.s32 @p1 $0x1;
	p0 =	seq.s32 s7, s2  }
0x1e: {  	s7 =	smul.u32 @!p0 $0xF7A, s2;
	p2 =	seq.s32 @!p0 s5, $0x0  }
0x1f: {  	s9 =	smul.u32 $0xF7A, s1;
	s8 =	simm.s32 @!p0 $0x1BF5;
	p2 =	por !p2, p0  }
0x20: {  	[sflag:s8] =	ssyncset.s32 @!p0 $0xFFFFF086;
	s6 =	sadd.s32 @!p0 s3, s7;
	s7 =	simm.s32 @!p0 $0x108  }
0x21: {  	s3 =	sadd.s32 s3, s9;
	s6 =	sadd.s32 @!p0 $0x88, s6;
	s7 =	simm.s32 @p2 $0x1082  }
0x22: {  	[simem:s7], [sflag:s8] =	dma.local @!p0 [hbm:s6], $0xF7A  }
0x23: {  	s9 =	sor.u32 $0xD0000000, s2;
	s6 =	simm.s32 $0x108;
	_ =	swait.ge @!p0 [sflag:s8], $0x0  }
0x24: {  	s3 =	sadd.s32 $0x88, s3;
	s6 =	simm.s32 @!p1 $0x1082;
	[sflag:s4] =	ssyncset.s32 $0xFFFFF086  }
0x25: {  	[simem:s6], [sflag:s4] =	dma.local [hbm:s3], $0xF7A  }
0x26: {  	[smem:$0x3F98] =	sst s1;
	(tag) =	ssettag s2;
	_ =	strace s9  }
0x27: {  	s1 =	sld [smem:$0x3FA8]  }
0x28: {  	s2 =	sld [smem:$0x3FA9]  }
0x29: {  	s4 =	sld [smem:$0x3FAB]  }
0x2a: {  	p0 =	seq.s32 s5, $0x0;
	s5 =	sld [smem:$0x3FAC]  }
0x2b: {  	s6 =	sld [smem:$0x3FAD]  }
0x2c: {  	s7 =	sld [smem:$0x3FAE]  }
0x2d: {  	s3 =	simm.s32 $0x108;
	s8 =	sld [smem:$0x3FAF]  }
0x2e: {  	s3 =	simm.s32 @!p0 $0x1082;
	s9 =	sld [smem:$0x3FB0]  }
0x2f: {  	lr =	sadd.s32 s0, s3;
	s0 =	sld [smem:$0x3FA7]  }
0x30: {  	s3 =	sld [smem:$0x3FAA]  }
0x31: {  	[smem:$0x3FB3] =	sst s10  }
0x32: {  	s10 =	sld [smem:$0x3FB1];
	_ =	sdelay $0x3  }
0x33: {  	p0 =	seq.s32 s10, $0x1;
	s10 =	sld [smem:$0x3FB3];
	_ =	sdelay $0x3  }
0x34: {  	[smem:$0x3FB3] =	sst s10  }
0x35: {  	s10 =	sld [smem:$0x3FB2];
	_ =	sdelay $0x3  }
0x36: {  	p1 =	seq.s32 s10, $0x1;
	s10 =	sld [smem:$0x3FB3];
	_ =	sdelay $0x3  }
0x37: {  	[smem:$0x3FB3] =	sst s10  }
0x38: {  	s10 =	sld [smem:$0x3FB4]  }
0x39: {  	_ = 	snop;
	(pc) =	sbr.ind lr, $3  }
0x3a: {  	_ = 	snop  }
0x3b: {  	_ = 	snop  }
0x3c: {  	p2 =	seq.s32 s10, $0x1;
	s10 =	sld [smem:$0x3FB3]  }
0x3d: {  	_ =	shalt  }
0x3e: {  	_ =	shalt  }
0x3f: {  	_ =	shalt  }
0x40: {  	_ =	shalt  }
0x41: {  	_ =	shalt  }
0x42: {  	_ =	shalt  }
0x43: {  	_ =	shalt  }
0x44: {  	_ =	shalt  }
0x45: {  	_ =	shalt  }
0x46: {  	_ =	shalt  }
0x47: {  	_ =	shalt  }
0x48: {  	_ =	shalt  }
0x49: {  	_ =	shalt  }
0x4a: {  	_ =	shalt  }
0x4b: {  	_ =	shalt  }
0x4c: {  	_ =	shalt  }
0x4d: {  	_ =	shalt  }
0x4e: {  	_ =	shalt  }
0x4f: {  	_ =	shalt  }
0x50: {  	_ =	shalt  }
0x51: {  	_ =	shalt  }
0x52: {  	_ =	shalt  }
0x53: {  	_ =	shalt  }
0x54: {  	_ =	shalt  }
0x55: {  	_ =	shalt  }
0x56: {  	_ =	shalt  }
0x57: {  	_ =	shalt  }
0x58: {  	_ =	shalt  }
0x59: {  	_ =	shalt  }
0x5a: {  	_ =	shalt  }
0x5b: {  	_ =	shalt  }
0x5c: {  	_ =	shalt  }
0x5d: {  	_ =	shalt  }
0x5e: {  	_ =	shalt  }
0x5f: {  	_ =	shalt  }
0x60: {  	_ =	shalt  }
0x61: {  	_ =	shalt  }
0x62: {  	_ =	shalt  }
0x63: {  	_ =	shalt  }
0x64: {  	_ =	shalt  }
0x65: {  	_ =	shalt  }
0x66: {  	_ =	shalt  }
0x67: {  	_ =	shalt  }
0x68: {  	_ =	shalt  }
0x69: {  	_ =	shalt  }
0x6a: {  	_ =	shalt  }
0x6b: {  	_ =	shalt  }
0x6c: {  	_ =	shalt  }
0x6d: {  	_ =	shalt  }
0x6e: {  	_ =	shalt  }
0x6f: {  	_ =	shalt  }
0x70: {  	_ =	shalt  }
0x71: {  	_ =	shalt  }
0x72: {  	_ =	shalt  }
0x73: {  	_ =	shalt  }
0x74: {  	_ =	shalt  }
0x75: {  	_ =	shalt  }
0x76: {  	_ =	shalt  }
0x77: {  	_ =	shalt  }
0x78: {  	_ =	shalt  }
0x79: {  	_ =	shalt  }
0x7a: {  	_ =	shalt  }
0x7b: {  	_ =	shalt  }
0x7c: {  	_ =	shalt  }
0x7d: {  	_ =	shalt  }
0x7e: {  	_ =	shalt  }
0x7f: {  	_ =	shalt  }
0x80: {  	_ =	shalt  }
0x81: {  	_ =	shalt  }
0x82: {  	_ =	shalt  }
0x83: {  	_ =	shalt  }
0x84: {  	_ =	shalt  }
0x85: {  	_ =	shalt  }
0x86: {  	_ =	shalt  }
0x87: {  	_ =	shalt  }
.Lfunc_end0:
.L_simem_size_0:
called_computation_lowered:
.L_overlay_start_0:
0x88: {  	s2 =	sld [smem:$0x3FD9]  }
0x89: {  	s3 =	sld [smem:$0x3FFE];
	_ =	sdelay $0x1  }
0x8a: {  	s1 =	srdreg.scid  }
0x8b: {  	s0 =	sand.u32 $0x1, s1  }
0x8c: {  	s17 =	sshll.u32 s0, $0xA;
	s2 =	sadd.s32 s3, s2  }
0x8d: {  	s2 =	sadd.s32 s2, s17  }
0x8e: {  	[smem:$0x3FBF] =	sst s2  }
0x8f: {  	_ = 	snop  }
0x90: {  	s2 =	sld [smem:$0x3FC9];
	(tm) =	ssettm $0x1  }
0x91: {  	s18 =	sld [smem:$0x3FFB];
	_ =	sdelay $0x3  }
0x92: {  	_ =	strace s18  }
0x93: {  	s3 =	sld [smem:$0x3FFC];
	_ =	sdelay $0x3  }
0x94: {  	_ =	strace s3  }
0x95: {  	s3 =	sld [smem:$0x3FFD];
	_ =	sdelay $0x3  }
0x96: {  	_ =	strace s3  }
0x97: {  	_ =	strace $0x8FFFFFFF  }
0x98: {  	s19 =	sld [smem:$0x3FDB];
	_ =	sdelay $0x1  }
0x99: {  	s4 =	simm.s32 $_scs_section_size  }
0x9a: {  	s5 =	simm.s32 $_size__tile_overlayer_lowered;
	s6 =	simm.s32 $_tile_overlayer_lowered  }
0x9b: {  	s22 =	simm.s32 $0x1BFF;
	s21 =	sshll.u32 s6, $0x1;
	s3 =	sadd.s32 s4, s19  }
0x9c: {  	s7 =	simm.s32 $0x0;
	s20 =	sshll.u32 s5, $0x1;
	s5 =	sadd.s32 s21, s3  }
0x9d: {  	[timem:s7], [sflag:s22] =	dma.local [hbm:s5], s20  }
0x9e: {  	_ =	swait.ge [sflag:s22], s20  }
0x9f: {  	s4 =	ssub.s32 $0x0, s20;
	[sflag:s22] =	ssyncset.done $0x0  }
0xa0: {  	[sflag:s22] =	ssyncadd.s32 s4;
	_ =	sdelay $0x1  }
0xa1: {  	s23 =	simm.s32 $0x1B8B  }
0xa2: {  	_ =	swait.ge [sflag:s23], $0x1  }
0xa3: {  	[sflag:s23] =	ssyncset.done $0x0  }
0xa4: {  	s25 =	simm.s32 $0x1B8E;
	s24 =	sld [smem:$0x3FFE];
	[sflag:s23] =	ssyncadd.s32 $0xFFFFFFFF  }
0xa5: {  	s26 =	simm.s32 $execute0_lowered;
	[smem:$0x3FD2] =	sst s25  }
0xa6: {  	s5 =	sshll.u32 s26, $0x1;
	_ =	strace $0x80000046;
	[dreg:$0x1] =	wrdreg $0xFFFFFFFF  }
0xa7: {  	s28 =	simm.s32 $_size_execute0_lowered;
	s3 =	sadd.s32 s3, s5;
	[dreg:$0x0] =	wrdreg $0x0  }
0xa8: {  	s5 =	sshll.u32 s28, $0x1;
	[dreg:$0x2] =	wrdreg s3  }
0xa9: {  	[dreg:$0x3] =	wrdreg s5  }
0xaa: {  	[dreg:$0x4] =	wrdreg $0xC0  }
0xab: {  	_ =	task [dreg:s7], $0x5FFFF  }
0xac: {  	[dreg:$0x1] =	wrdreg $0xFFFFFFFF  }
0xad: {  	[dreg:$0x0] =	wrdreg $0x60  }
0xae: {  	[dreg:$0x2] =	wrdreg s24  }
0xaf: {  	[dreg:$0x3] =	wrdreg s2  }
0xb0: {  	[dreg:$0x4] =	wrdreg $0x80000  }
0xb1: {  	[dreg:$0x5] =	wrdreg $0x9  }
0xb2: {  	_ =	task.clear_ibuf [dreg:s7], $0x6FFFF;
	_ =	strace $0x90000046  }
0xb3: {  	s29 =	simm.s32 $0x9;
	_ =	strace $0x80000048  }
0xb4: {  	_ =	swait.ge [sflag:s29], $0x1  }
0xb5: {  	[sflag:s29] =	ssyncadd.s32 $0xFFFFFFFF  }
0xb6: {  	_ =	strace $0x90000048  }
0xb7: {  	_ =	sfence  }
0xb8: {  	s30 =	sld [smem:$0x0];
	_ =	sdelay $0x2  }
0xb9: {  	s31 =	sshll.u32 s1, $0xD;
	s1 =	sshrl.u32 s1, $0x2  }
0xba: {  	s3 =	sand.u32 $0x4000, s31;
	s1 =	sadd.s32 s1, s30  }
0xbb: {  	s0 =	sor.u32 s3, s0;
	s1 =	sshll.u32 s1, $0x11  }
0xbc: {  	s0 =	sor.u32 s1, s0  }
0xbd: {  	s0 =	sadd.s32 $0x8F2B, s0  }
0xbe: {  	[sflag:s0] =	ssyncadd.remote.s32 $0x1  }
0xbf: {  	_ =	sfence.sel $0xFFFF  }
0xc0: {  	[dreg:$0x0] =	wrdreg $0xFFFFFFFF;
	(pc) =	sbr.abs _section_cstart, $3  }
0xc1: {  	[dreg:$0x1] =	wrdreg $0xFFFFFFFF  }
0xc2: {  	_ =	task.clear_ibuf [dreg:s7], $0x2FFFF;
	_ =	strace $0x9FFFFFFF  }
0xc3: {  	(tm) =	ssettm $0x7FFFFFFF  }
tec
execute0_lowered:
.L_overlay_start_1:
0x0: {  	(tag) =	ssettag $0x1  }
0x1: {  	s0 =	rddreg [dreg:$0x0]  }
0x2: {  	s2 =	rddreg [dreg:$0x1];
	s1 =	srdreg.scid  }
0x3: {  	s12 =	stileid.u32;
	s3 =	rddreg [dreg:$0x2];
	s4 =	simm.s32 $0x0  }
0x4: {  	s29 =	simm.s32 $0x7800;
	s30 =	simm.s32 $0x11;
	s14 =	simm.s32 $0x6  }
0x5: {  	s15 =	simm.s32 $0xB;
	s1 =	sand.u32 $0x1, s1;
	s10 =	smul.u32 $0x190, s12  }
0x6: {  	s5 =	sshll.u32 s12, $0x1;
	[smem:$0x7FF] =	sst s4;
	s21 =	smul.u32 $0x50000, s12  }
0x7: {  	s6 =	sadd.s32 $0x1A00, s0;
	s18 =	sadd.s32 $0x1A80, s0;
	s24 =	smul.u32 $0x2800, s12  }
0x8: {  	s12 =	simm.s32 $0x9;
	s5 =	sor.u32 s1, s5;
	s7 =	smul.u32 $0x28000, s1  }
0x9: {  	s8 =	ssub.s32 $0x2, s1;
	_ =	strace $0x80000047;
	s1 =	smul.u32 $0xC8, s1  }
0xa: {  	s5 =	smul.u32 $0x1900, s5;
	s9 =	sshrl.u32 s8, $0x1;
	s23 =	sshrl.u32 s21, $0x2  }
0xb: {  	s21 =	simm.s32 $0xD;
	s7 =	sadd.s32 s7, s0;
	s8 =	ssub.s32 s8, s9  }
0xc: {  	s0 =	sadd.s32 $0x1AC0, s0;
	s1 =	sadd.s32 s1, s10;
	s10 =	simm.s32 $0x600  }
0xd: {  	s9 =	simm.s32 $0x4000;
	s13 =	sadd.s32 s6, s5;
	s19 =	sadd.s32 s5, s18  }
0xe: {  	s5 =	sadd.s32 s5, s0;
	s1 =	sshll.u32 s1, $0x5;
	[dreg:$0x8] =	wrdreg s19  }
0xf: {  	s25 =	smax.u32 s8, $0x1;
	s28 =	sadd.s32 s24, s7;
	[dreg:$0xa] =	wrdreg s5  }
0x10: {  	s8 =	simm.s32 $0x500;
	s7 =	simm.s32 $0x2400;
	[dreg:$0x4] =	wrdreg s13  }
0x11: {  	s24 =	simm.s32 $0xC;
	s16 =	sadd.s32 $0x20, s13;
	[dreg:$0xc] =	wrdreg s25  }
0x12: {  	s17 =	sadd.s32 $0x40, s13;
	s11 =	sadd.s32 $0x60, s13;
	[dreg:$0x5] =	wrdreg s16  }
0x13: {  	s20 =	sadd.s32 $0xA0, s13;
	s22 =	sadd.s32 $0xE0, s13;
	[dreg:$0x6] =	wrdreg s17  }
0x14: {  	s13 =	sadd.s32 s23, s3;
	s26 =	sadd.s32 s1, s6;
	[dreg:$0x7] =	wrdreg s11  }
0x15: {  	s0 =	sadd.s32 s1, s0;
	s31 =	sadd.s32 s1, s18;
	[dreg:$0x9] =	wrdreg s20  }
0x16: {  	s1 =	simm.s32 $0x32;
	s23 =	simm.s32 $0xE;
	[dreg:$0xb] =	wrdreg s22  }
0x17: {  	s18 =	simm.s32 $0x7;
	s19 =	simm.s32 $0xF;
	[dreg:$0xd] =	wrdreg s26  }
0x18: {  	s25 =	simm.s32 $0x8;
	s6 =	sadd.s32 $0x100, s26;
	[dreg:$0x10] =	wrdreg s0  }
0x19: {  	s5 =	sadd.s32 $0x140, s26;
	[dreg:$0x11] =	wrdreg s31;
	s20 =	sadd.s32 $0x33A00, s28  }
0x1a: {  	s17 =	simm.s32 $0x400;
	s0 =	simm.s32 $0x800;
	s11 =	simm.s32 $0x5C00  }
0x1b: {  	s22 =	simm.s32 $0xA;
	s26 =	simm.s32 $0x10;
	[dreg:$0xe] =	wrdreg s6  }
0x1c: {  	v0 =	vimm.f32 $0.0e+00;
	s16 =	simm.s32 $0x0;
	[dreg:$0xf] =	wrdreg s5;
	s5 =	simm.s32 $0x700  }
.LBB2_1:
0x1d: {  	[dreg:$0x12] =	wrdreg s16  }
0x1e: {  	s6 =	rddreg [dreg:$0x4]  }
0x1f: {  	[tilespmem:s4], [sflag:$0x1] =	stream.linear.gather [hbm4b:s6+s4], $0x100, $0x38;
	[tilespmem:$0x1C000] =	vst v63  }
0x20: {  	s16 =	rddreg [dreg:$0x5];
	s31 =	simm.s32 $0x100  }
0x21: {  	[tilespmem:s31], [sflag:$0x2] =	stream.linear.gather [hbm4b:s16+s4], $0x100, $0x38;
	[tilespmem:$0x1C000] =	vst v63  }
0x22: {  	s16 =	rddreg [dreg:$0x6];
	s31 =	simm.s32 $0x200  }
0x23: {  	[tilespmem:s31], [sflag:$0x3] =	stream.linear.gather [hbm4b:s16+s4], $0x100, $0x38;
	[tilespmem:$0x1C000] =	vst v63  }
0x24: {  	s16 =	rddreg [dreg:$0x7];
	s31 =	simm.s32 $0x300  }
0x25: {  	[tilespmem:s31], [sflag:$0x4] =	stream.linear.gather [hbm4b:s16+s4], $0x100, $0x38;
	[tilespmem:$0x1C000] =	vst v63  }
0x26: {  	s31 =	rddreg [dreg:$0x8]  }
0x27: {  	[tilespmem:s17], [sflag:$0x5] =	stream.linear.gather [hbm4b:s31+s4], $0x100, $0x38;
	[tilespmem:$0x1C000] =	vst v63  }
0x28: {  	s16 =	rddreg [dreg:$0x9]  }
0x29: {  	[tilespmem:s8], [sflag:$0x6] =	stream.linear.gather [hbm4b:s16+s4], $0x100, $0x38;
	[tilespmem:$0x1C000] =	vst v63  }
0x2a: {  	s17 =	rddreg [dreg:$0xa]  }
0x2b: {  	[tilespmem:s10], [sflag:$0x7] =	stream.linear.gather [hbm4b:s17+s4], $0x100, $0x38;
	[tilespmem:$0x1C000] =	vst v63  }
0x2c: {  	s28 =	simm.s32 $0x0;
	s31 =	rddreg [dreg:$0xb];
	s16 =	simm.s32 $0x200  }
0x2d: {  	[tilespmem:s5], [sflag:$0x8] =	stream.linear.gather [hbm4b:s31+s4], $0x100, $0x38;
	[tilespmem:$0x1C000] =	vst v63  }
.LBB2_2:
0x2e: {  	p0 =	sne.s32 s16, $0x1E00;
	[tilespmem:s28+$0x7870] =	vst v0  }
0x2f: {  	[tilespmem:s28+$0x7800] =	vst v0  }
0x30: {  	[tilespmem:s28+$0x7810] =	vst v0  }
.Ltmp0:
0x31: {  	[tilespmem:s28+$0x7820] =	vst v0;
	(pc) =	sbr.rel @p0 .LBB2_2-.Ltmp0, $4  }
0x32: {  	[tilespmem:s28+$0x7830] =	vst v0  }
0x33: {  	[tilespmem:s28+$0x7840] =	vst v0  }
0x34: {  	[tilespmem:s28+$0x7850] =	vst v0  }
0x35: {  	[tilespmem:s28+$0x7860] =	vst v0;
	s28 =	sshra.s32 s16, $0x2;
	s16 =	sadd.s32 $0x200, s16  }
0x36: {  	[tilespmem:s28+$0x7870] =	vst v0  }
0x37: {  	[tilespmem:s28+$0x7800] =	vst v0  }
0x38: {  	[tilespmem:s28+$0x7810] =	vst v0  }
0x39: {  	[tilespmem:s28+$0x7820] =	vst v0  }
0x3a: {  	[tilespmem:s28+$0x7830] =	vst v0  }
0x3b: {  	[tilespmem:s28+$0x7840] =	vst v0  }
0x3c: {  	[tilespmem:s28+$0x7850] =	vst v0  }
0x3d: {  	[tilespmem:s28+$0x7860] =	vst v0;
	s16 =	sadd.s32 $0x0, s13  }
0x3e: {  	[spmem:s16] =	stream.linear.scatter [tilespmem:s29], [sflag:$0x11], $0x800, $0x38;
	[tilespmem:$0x1C000] =	vst v63  }
0x3f: {  	s16 =	simm.s32 $0x2000;
	_ =	swait.ge [sflag:s30], $0x800  }
.LBB2_4:
0x40: {  	s17 =	sshra.s32 s16, $0x2;
	[sflag:s30] =	ssyncset.done $0x0;
	p0 =	sne.s32 s16, $0x4E000  }
.Ltmp1:
0x41: {  	s17 =	sadd.s32 s17, s13;
	[sflag:s30] =	ssyncadd.s32 $0xFFFFF800;
	(pc) =	sbr.rel @p0 .LBB2_4-.Ltmp1, $3  }
0x42: {  	[spmem:s17] =	stream.linear.scatter [tilespmem:s29], [sflag:$0x11], $0x800, $0x38;
	[tilespmem:$0x1C000] =	vst v63  }
0x43: {  	s16 =	sadd.s32 $0x2000, s16;
	_ =	sdelay $0x1  }
0x44: {  	_ =	swait.ge [sflag:s30], $0x800  }
.Ltmp2:
0x45: {  	(pc) =	sbr.rel .LBB2_6-.Ltmp2, $4  }
0x46: {  	[sflag:s30] =	ssyncset.done $0x0  }
0x47: {  	[sflag:s30] =	ssyncadd.s32 $0xFFFFF800  }
0x48: {  	[bflag:$0x0] =	sbarrier.arrive $0xFFFF  }
0x49: {  	s28 =	simm.s32 $0x0  }
.LBB2_8:
0x4a: {  	_ =	swait.ge [sflag:s21], $0x1900  }
0x4b: {  	[sflag:s21] =	ssyncset.done $0x0;
	s6 =	rddreg [dreg:$0x11]  }
0x4c: {  	[sflag:s21] =	ssyncadd.s32 $0xFFFFE700;
	s16 =	sadd.s32 s28, s6  }
0x4d: {  	[tilespmem:s31], [sflag:$0x5] =	stream.linear.gather [hbm4b:s16+s4], $0x100, $0x38;
	[tilespmem:$0x1C000] =	vst v63  }
0x4e: {  	_ = 	snop  }
0x4f: {  	[tilespmem:s0], [sflag:$0x9] =	stream.indirect.gather [hbm4b:s2+s1], $0x80, s4, s1, $0xb8;
	[tilespmem:$0x1C000] =	vst v63  }
0x50: {  	_ =	swait.ge [sflag:s22], $0x1900  }
0x51: {  	[sflag:s22] =	ssyncset.done $0x0  }
0x52: {  	s5 =	simm.s32 $0x580;
	s16 =	simm.s32 $0x2;
	[sflag:s22] =	ssyncadd.s32 $0xFFFFE700  }
0x53: {  	[spmem:s3] =	stream.indirect.scatter.add.f32 [tilespmem:s7], [sflag:$0xE], $0x80, s5, s1, $0xb8;
	[tilespmem:$0x1C000] =	vst v63  }
0x54: {  	_ =	swait.ge [sflag:s16], $0x100  }
0x55: {  	[sflag:s16] =	ssyncset.done $0x0  }
0x56: {  	[sflag:s16] =	ssyncadd.s32 $0xFFFFFF00  }
0x57: {  	_ =	swait.ge [sflag:s23], $0x1900  }
0x58: {  	s17 =	rddreg [dreg:$0xd]  }
0x59: {  	[sflag:s23] =	ssyncset.done $0x0;
	s16 =	sadd.s32 s28, s17  }
0x5a: {  	s8 =	simm.s32 $0x500;
	[sflag:s23] =	ssyncadd.s32 $0xFFFFE700;
	s17 =	sadd.s32 $0xA0, s16  }
0x5b: {  	[tilespmem:s8], [sflag:$0x6] =	stream.linear.gather [hbm4b:s17+s4], $0x100, $0x38;
	[tilespmem:$0x1C000] =	vst v63  }
0x5c: {  	s5 =	simm.s32 $0x100  }
0x5d: {  	[tilespmem:s7], [sflag:$0xA] =	stream.indirect.gather [hbm4b:s2+s1], $0x80, s5, s1, $0xb8;
	[tilespmem:$0x1C000] =	vst v63  }
0x5e: {  	_ =	swait.ge [sflag:s15], $0x1900  }
0x5f: {  	[sflag:s15] =	ssyncset.done $0x0  }
0x60: {  	s10 =	simm.s32 $0x680;
	s17 =	simm.s32 $0x3;
	[sflag:s15] =	ssyncadd.s32 $0xFFFFE700  }
0x61: {  	[spmem:s3] =	stream.indirect.scatter.add.f32 [tilespmem:s9], [sflag:$0xF], $0x80, s10, s1, $0xb8;
	[tilespmem:$0x1C000] =	vst v63  }
0x62: {  	_ =	swait.ge [sflag:s17], $0x100  }
0x63: {  	[sflag:s17] =	ssyncset.done $0x0  }
0x64: {  	[sflag:s17] =	ssyncadd.s32 $0xFFFFFF00  }
0x65: {  	_ =	swait.ge [sflag:s19], $0x1900  }
0x66: {  	[sflag:s19] =	ssyncset.done $0x0;
	s5 =	rddreg [dreg:$0x10]  }
0x67: {  	s10 =	simm.s32 $0x600;
	[sflag:s19] =	ssyncadd.s32 $0xFFFFE700;
	s6 =	sadd.s32 s28, s5  }
0x68: {  	[tilespmem:s10], [sflag:$0x7] =	stream.linear.gather [hbm4b:s6+s4], $0x100, $0x38;
	[tilespmem:$0x1C000] =	vst v63  }
0x69: {  	s5 =	simm.s32 $0x200  }
0x6a: {  	[tilespmem:s9], [sflag:$0xB] =	stream.indirect.gather [hbm4b:s2+s1], $0x80, s5, s1, $0xb8;
	[tilespmem:$0x1C000] =	vst v63  }
0x6b: {  	_ =	swait.ge [sflag:s24], $0x1900  }
0x6c: {  	[sflag:s24] =	ssyncset.done $0x0  }
0x6d: {  	s17 =	simm.s32 $0x4;
	s6 =	simm.s32 $0x780;
	[sflag:s24] =	ssyncadd.s32 $0xFFFFE700  }
0x6e: {  	[spmem:s3] =	stream.indirect.scatter.add.f32 [tilespmem:s11], [sflag:$0x10], $0x80, s6, s1, $0xb8;
	[tilespmem:$0x1C000] =	vst v63  }
0x6f: {  	_ =	swait.ge [sflag:s17], $0x100  }
0x70: {  	[sflag:s17] =	ssyncset.done $0x0  }
0x71: {  	[sflag:s17] =	ssyncadd.s32 $0xFFFFFF00  }
0x72: {  	_ =	swait.ge [sflag:s26], $0x1900  }
0x73: {  	[sflag:s26] =	ssyncset.done $0x0  }
0x74: {  	s16 =	sadd.s32 $0xE0, s16;
	s5 =	simm.s32 $0x700;
	[sflag:s26] =	ssyncadd.s32 $0xFFFFE700  }
0x75: {  	[tilespmem:s5], [sflag:$0x8] =	stream.linear.gather [hbm4b:s16+s4], $0x100, $0x38;
	[tilespmem:$0x1C000] =	vst v63  }
.LBB2_9:
0x76: {  	s6 =	simm.s32 $0x300  }
0x77: {  	[tilespmem:s11], [sflag:$0xC] =	stream.indirect.gather [hbm4b:s2+s1], $0x80, s6, s1, $0xb8;
	[tilespmem:$0x1C000] =	vst v63  }
0x78: {  	_ =	swait.ge [sflag:s12], $0x1900  }
0x79: {  	[sflag:s12] =	ssyncset.done $0x0  }
0x7a: {  	s16 =	simm.s32 $0x80;
	s17 =	simm.s32 $0x5;
	[sflag:s12] =	ssyncadd.s32 $0xFFFFE700  }
0x7b: {  	[spmem:s3] =	stream.indirect.scatter.add.f32 [tilespmem:s0], [sflag:$0xD], $0x80, s16, s1, $0xb8;
	[tilespmem:$0x1C000] =	vst v63  }
0x7c: {  	_ =	swait.ge [sflag:s17], $0x100  }
0x7d: {  	[sflag:s17] =	ssyncset.done $0x0  }
0x7e: {  	[sflag:s17] =	ssyncadd.s32 $0xFFFFFF00  }
0x7f: {  	_ =	swait.ge [sflag:s21], $0x1900  }
0x80: {  	p0 =	seq.s32 s28, $0x1800;
	[sflag:s21] =	ssyncset.done $0x0;
	s6 =	rddreg [dreg:$0xe]  }
0x81: {  	s17 =	simm.s32 @!p0 $0x0;
	[sflag:s21] =	ssyncadd.s32 $0xFFFFE700;
	s16 =	sadd.s32 @!p0 s28, s6  }
0x82: {  	[tilespmem:s17], [sflag:$0x1] =	stream.linear.gather @!p0 [hbm4b:s16+s17], $0x100, $0x38;
	[tilespmem:$0x1C000] =	vst v63  }
0x83: {  	_ = 	snop  }
0x84: {  	[tilespmem:s0], [sflag:$0x9] =	stream.indirect.gather [hbm4b:s2+s1], $0x80, s31, s1, $0xb8;
	[tilespmem:$0x1C000] =	vst v63  }
0x85: {  	_ =	swait.ge [sflag:s22], $0x1900  }
0x86: {  	[sflag:s22] =	ssyncset.done $0x0  }
0x87: {  	s31 =	simm.s32 $0x180;
	[sflag:s22] =	ssyncadd.s32 $0xFFFFE700  }
0x88: {  	[spmem:s3] =	stream.indirect.scatter.add.f32 [tilespmem:s7], [sflag:$0xE], $0x80, s31, s1, $0xb8;
	[tilespmem:$0x1C000] =	vst v63  }
0x89: {  	_ =	swait.ge [sflag:s14], $0x100  }
0x8a: {  	[sflag:s14] =	ssyncset.done $0x0  }
0x8b: {  	[sflag:s14] =	ssyncadd.s32 $0xFFFFFF00  }
0x8c: {  	_ =	swait.ge [sflag:s23], $0x1900  }
0x8d: {  	[sflag:s23] =	ssyncset.done $0x0  }
0x8e: {  	s6 =	simm.s32 @!p0 $0x100;
	s31 =	sadd.s32 @!p0 $0x20, s16;
	[sflag:s23] =	ssyncadd.s32 $0xFFFFE700  }
0x8f: {  	[tilespmem:s6], [sflag:$0x2] =	stream.linear.gather @!p0 [hbm4b:s31+s17], $0x100, $0x38;
	[tilespmem:$0x1C000] =	vst v63  }
0x90: {  	_ = 	snop  }
0x91: {  	[tilespmem:s7], [sflag:$0xA] =	stream.indirect.gather [hbm4b:s2+s1], $0x80, s8, s1, $0xb8;
	[tilespmem:$0x1C000] =	vst v63  }
0x92: {  	_ =	swait.ge [sflag:s15], $0x1900  }
0x93: {  	[sflag:s15] =	ssyncset.done $0x0  }
0x94: {  	s8 =	simm.s32 $0x280;
	[sflag:s15] =	ssyncadd.s32 $0xFFFFE700  }
0x95: {  	[spmem:s3] =	stream.indirect.scatter.add.f32 [tilespmem:s9], [sflag:$0xF], $0x80, s8, s1, $0xb8;
	[tilespmem:$0x1C000] =	vst v63  }
0x96: {  	_ =	swait.ge [sflag:s18], $0x100  }
0x97: {  	[sflag:s18] =	ssyncset.done $0x0  }
0x98: {  	[sflag:s18] =	ssyncadd.s32 $0xFFFFFF00  }
0x99: {  	_ =	swait.ge [sflag:s19], $0x1900  }
0x9a: {  	[sflag:s19] =	ssyncset.done $0x0;
	s6 =	rddreg [dreg:$0xf]  }
0x9b: {  	s31 =	simm.s32 @!p0 $0x200;
	[sflag:s19] =	ssyncadd.s32 $0xFFFFE700;
	s6 =	sadd.s32 @!p0 s28, s6  }
0x9c: {  	[tilespmem:s31], [sflag:$0x3] =	stream.linear.gather @!p0 [hbm4b:s6+s17], $0x100, $0x38;
	[tilespmem:$0x1C000] =	vst v63  }
0x9d: {  	_ = 	snop  }
0x9e: {  	[tilespmem:s9], [sflag:$0xB] =	stream.indirect.gather [hbm4b:s2+s1], $0x80, s10, s1, $0xb8;
	[tilespmem:$0x1C000] =	vst v63  }
0x9f: {  	_ =	swait.ge [sflag:s24], $0x1900  }
0xa0: {  	[sflag:s24] =	ssyncset.done $0x0  }
0xa1: {  	s10 =	simm.s32 $0x380;
	[sflag:s24] =	ssyncadd.s32 $0xFFFFE700  }
0xa2: {  	[spmem:s3] =	stream.indirect.scatter.add.f32 [tilespmem:s11], [sflag:$0x10], $0x80, s10, s1, $0xb8;
	[tilespmem:$0x1C000] =	vst v63  }
0xa3: {  	_ =	swait.ge [sflag:s25], $0x100  }
0xa4: {  	[sflag:s25] =	ssyncset.done $0x0  }
0xa5: {  	[sflag:s25] =	ssyncadd.s32 $0xFFFFFF00  }
0xa6: {  	_ =	swait.ge [sflag:s26], $0x1900  }
0xa7: {  	s28 =	sadd.s32 $0x100, s28;
	[sflag:s26] =	ssyncset.done $0x0  }
0xa8: {  	s6 =	sadd.s32 @!p0 $0x60, s16;
	s16 =	simm.s32 @!p0 $0x300;
	[sflag:s26] =	ssyncadd.s32 $0xFFFFE700  }
0xa9: {  	[tilespmem:s16], [sflag:$0x4] =	stream.linear.gather @!p0 [hbm4b:s6+s17], $0x100, $0x38;
	[tilespmem:$0x1C000] =	vst v63  }
0xaa: {  	p0 =	sne.s32 s28, $0x1900  }
0xab: {  	[tilespmem:s11], [sflag:$0xC] =	stream.indirect.gather [hbm4b:s2+s1], $0x80, s5, s1, $0xb8;
	[tilespmem:$0x1C000] =	vst v63  }
.Ltmp3:
0xac: {  	_ = 	snop;
	(pc) =	sbr.rel @!p0 .LBB2_10-.Ltmp3, $4  }
0xad: {  	_ =	swait.ge [sflag:s12], $0x1900  }
0xae: {  	[sflag:s12] =	ssyncset.done $0x0  }
0xaf: {  	s31 =	simm.s32 $0x480;
	[sflag:s12] =	ssyncadd.s32 $0xFFFFE700  }
0xb0: {  	[spmem:s3] =	stream.indirect.scatter.add.f32 [tilespmem:s0], [sflag:$0xD], $0x80, s31, s1, $0xb8;
	[tilespmem:$0x1C000] =	vst v63  }
.LBB2_6:
0xb1: {  	p0 =	sne.s32 s28, $0x0  }
.Ltmp4:
0xb2: {  	_ = 	snop;
	(pc) =	sbr.rel @p0 .LBB2_8-.Ltmp4, $4  }
0xb3: {  	s5 =	simm.s32 $0x1  }
0xb4: {  	_ =	swait.ge [sflag:s5], $0x100  }
0xb5: {  	[sflag:s5] =	ssyncset.done $0x0  }
0xb6: {  	s31 =	simm.s32 $0x400;
	[sflag:s5] =	ssyncadd.s32 $0xFFFFFF00  }
0xb7: {  	[tilespmem:s0], [sflag:$0x9] =	stream.indirect.gather [hbm4b:s2+s1], $0x80, s4, s1, $0xb8;
	[tilespmem:$0x1C000] =	vst v63  }
0xb8: {  	s5 =	simm.s32 $0x2  }
0xb9: {  	_ =	swait.ge [sflag:s5], $0x100  }
0xba: {  	[sflag:s5] =	ssyncset.done $0x0  }
0xbb: {  	s6 =	simm.s32 $0x100;
	s10 =	simm.s32 $0x3;
	[sflag:s5] =	ssyncadd.s32 $0xFFFFFF00  }
0xbc: {  	[tilespmem:s7], [sflag:$0xA] =	stream.indirect.gather [hbm4b:s2+s1], $0x80, s6, s1, $0xb8;
	[tilespmem:$0x1C000] =	vst v63  }
0xbd: {  	_ =	swait.ge [sflag:s10], $0x100  }
0xbe: {  	s16 =	simm.s32 $0x200;
	[sflag:s10] =	ssyncset.done $0x0  }
.Ltmp5:
0xbf: {  	s17 =	simm.s32 $0x4;
	[sflag:s10] =	ssyncadd.s32 $0xFFFFFF00;
	(pc) =	sbr.rel .LBB2_9-.Ltmp5, $4  }
0xc0: {  	[tilespmem:s9], [sflag:$0xB] =	stream.indirect.gather [hbm4b:s2+s1], $0x80, s16, s1, $0xb8;
	[tilespmem:$0x1C000] =	vst v63  }
0xc1: {  	_ =	swait.ge [sflag:s17], $0x100  }
0xc2: {  	s8 =	simm.s32 $0x500;
	[sflag:s17] =	ssyncset.done $0x0  }
0xc3: {  	s5 =	simm.s32 $0x700;
	s10 =	simm.s32 $0x600;
	[sflag:s17] =	ssyncadd.s32 $0xFFFFFF00  }
.LBB2_10:
0xc4: {  	_ =	swait.ge [sflag:s22], $0x1900  }
0xc5: {  	[sflag:s22] =	ssyncset.done $0x0  }
0xc6: {  	s5 =	simm.s32 $0x580;
	[sflag:s22] =	ssyncadd.s32 $0xFFFFE700  }
0xc7: {  	[spmem:s3] =	stream.indirect.scatter.add.f32 [tilespmem:s7], [sflag:$0xE], $0x80, s5, s1, $0xb8;
	[tilespmem:$0x1C000] =	vst v63  }
0xc8: {  	_ =	swait.ge [sflag:s15], $0x1900  }
0xc9: {  	[sflag:s15] =	ssyncset.done $0x0  }
0xca: {  	s16 =	simm.s32 $0x680;
	[sflag:s15] =	ssyncadd.s32 $0xFFFFE700  }
0xcb: {  	[spmem:s3] =	stream.indirect.scatter.add.f32 [tilespmem:s9], [sflag:$0xF], $0x80, s16, s1, $0xb8;
	[tilespmem:$0x1C000] =	vst v63  }
0xcc: {  	_ =	swait.ge [sflag:s24], $0x1900  }
0xcd: {  	[sflag:s24] =	ssyncset.done $0x0  }
0xce: {  	s17 =	simm.s32 $0x780;
	[sflag:s24] =	ssyncadd.s32 $0xFFFFE700  }
0xcf: {  	[spmem:s3] =	stream.indirect.scatter.add.f32 [tilespmem:s11], [sflag:$0x10], $0x80, s17, s1, $0xb8;
	[tilespmem:$0x1C000] =	vst v63  }
0xd0: {  	_ =	swait.ge [sflag:s21], $0x1900  }
0xd1: {  	[sflag:s21] =	ssyncset.done $0x0  }
0xd2: {  	[sflag:s21] =	ssyncadd.s32 $0xFFFFE700  }
0xd3: {  	_ =	swait.ge [sflag:s23], $0x1900  }
0xd4: {  	[sflag:s23] =	ssyncset.done $0x0  }
0xd5: {  	[sflag:s23] =	ssyncadd.s32 $0xFFFFE700  }
0xd6: {  	_ =	swait.ge [sflag:s19], $0x1900  }
0xd7: {  	[sflag:s19] =	ssyncset.done $0x0  }
0xd8: {  	[sflag:s19] =	ssyncadd.s32 $0xFFFFE700  }
0xd9: {  	_ =	swait.ge [sflag:s26], $0x1900  }
0xda: {  	s6 =	stileid.u32;
	[sflag:s26] =	ssyncset.done $0x0  }
0xdb: {  	s31 =	sshrl.u32 s13, $0x3;
	s6 =	sshll.u32 s6, $0x6;
	[sflag:s26] =	ssyncadd.s32 $0xFFFFE700  }
0xdc: {  	s28 =	sor.u32 $0x1C11, s6;
	s16 =	sadd.s32 $0x0, s20;
	[bflag:$0x0] =	sbarrier.arrive $0xFFFF  }
0xdd: {  	[hbm:s16], [sflag:s28] =	dma.local [spmem:s31], $0x100  }
0xde: {  	s17 =	sadd.s32 $0x800, s13;
	s16 =	simm.s32 $0x100;
	_ =	swait.ge [sflag:s30], $0x100  }
.LBB2_11:
0xdf: {  	s6 =	sadd.s32 s16, s20;
	[sflag:s30] =	ssyncset.done $0x0;
	p0 =	sne.s32 s16, $0x2700  }
.Ltmp6:
0xe0: {  	s31 =	sshrl.u32 s17, $0x3;
	[sflag:s30] =	ssyncadd.s32 $0xFFFFFF00;
	(pc) =	sbr.rel @p0 .LBB2_11-.Ltmp6, $3  }
0xe1: {  	[hbm:s6], [sflag:s28] =	dma.local [spmem:s31], $0x100  }
0xe2: {  	s16 =	sadd.s32 $0x100, s16;
	_ =	sdelay $0x1  }
0xe3: {  	s17 =	sadd.s32 $0x800, s17;
	_ =	swait.ge [sflag:s30], $0x100  }
0xe4: {  	s16 =	rddreg [dreg:$0x12]  }
0xe5: {  	s6 =	rddreg [dreg:$0xc];
	s16 =	sadd.s32 $0x1, s16  }
0xe6: {  	p0 =	sne.s32 s16, s6  }
.Ltmp7:
0xe7: {  	_ = 	snop;
	(pc) =	sbr.rel @p0 .LBB2_1-.Ltmp7, $3  }
0xe8: {  	_ =	sdelay $0x1  }
0xe9: {  	[sflag:s30] =	ssyncset.done $0x0;
	s17 =	simm.s32 $0x400;
	s8 =	simm.s32 $0x500  }
0xea: {  	s10 =	simm.s32 $0x600;
	s5 =	simm.s32 $0x700;
	[sflag:s30] =	ssyncadd.s32 $0xFFFFFF00  }
0xeb: {  	_ =	sfence.sel $0x180000  }
0xec: {  	[bflag:$0x0] =	sbarrier.arrive $0xFFFF  }
0xed: {  	_ =	strace $0x90000047  }
0xee: {  	s0 =	stileid.u32;
	[bflag:$0x2] =	sbarrier.arrive $0xFFFF  }
0xef: {  	p0 =	sne.s32 s0, $0x0;
	s0 =	rddreg [dreg:$0x3]  }
0xf0: {  	s0 =	sadd.s32 @!p0 $0x100000, s0  }
0xf1: {  	[sflag:s0] =	ssyncadd.tile.s32 @!p0 $0x1;
	_ =	shalt  }
.Lfunc_end2:
_tile_overlayer_lowered:
.L_overlay_start_2:
0xf2: {  	(tag) =	ssettag $0x2  }
0xf3: {  	s0 =	rddreg [dreg:$0x0];
	s2 =	stileid.u32  }
0xf4: {  	s1 =	rddreg [dreg:$0x1];
	p0 =	sne.s32 s2, $0x0  }
0xf5: {  	s3 =	rddreg [dreg:$0x2];
	[bflag:$0x3] =	sbarrier.arrive $0xFFFF;
	s2 =	simm.s32 @!p0 $0x1C11  }
0xf6: {  	[timem:s3], [sflag:s2] =	dma.local @!p0 [hbm:s0], s1  }
0xf7: {  	s0 =	simm.s32 @!p0 $0x11  }
0xf8: {  	_ =	swait.ge @!p0 [sflag:s0], s1  }
0xf9: {  	s1 =	ssub.s32 @!p0 $0x0, s1;
	[sflag:s0] =	ssyncset.done @!p0 $0x0  }
0xfa: {  	[sflag:s0] =	ssyncadd.s32 @!p0 s1  }
0xfb: {  	[bflag:$0x3] =	sbarrier.arrive $0xFFFF  }
0xfc: {  	_ =	shalt  }

</sc_bundles>
